<compile_context>
chip_gen: v7x
topology: tpu7x:2x2x1
jax: 0.10.2.dev20260603
libtpu: 0.0.44.dev20260713+nightly
codegen_flags: <defaults>
</compile_context>

<pallas_src>
import functools
import math

import jax
import jax.numpy as jnp
import numpy as np
from jax import lax
from jax.experimental import pallas as pl
from jax.experimental.pallas import tpu as pltpu
from jax.experimental.pallas import tpu_sc as plsc

D_MODEL = 64
SCALE = np.float32(math.sqrt(D_MODEL))

_NC = 2
_NS = 16
_NW = _NC * _NS
_CHUNK = 128


def _make_gather(B: int, D: int):
    assert B % (_NW * _CHUNK) == 0
    n_chunks = B // (_NW * _CHUNK)
    mesh = plsc.VectorSubcoreMesh(core_axis_name="c", subcore_axis_name="s")

    @functools.partial(
        pl.kernel,
        mesh=mesh,
        compiler_params=pltpu.CompilerParams(use_tc_tiling_on_sc=False),
        out_type=jax.ShapeDtypeStruct((B, D), jnp.float32),
        scratch_types=[
            pltpu.VMEM((n_chunks, _CHUNK), jnp.int32),
            pltpu.VMEM((_CHUNK, D), jnp.float32),
            pltpu.VMEM((_CHUNK, D), jnp.float32),
            pltpu.VMEM((_CHUNK, D), jnp.float32),
            pltpu.VMEM((_CHUNK, D), jnp.float32),
            pltpu.VMEM((_CHUNK, D), jnp.float32),
            pltpu.VMEM((_CHUNK, D), jnp.float32),
            pltpu.SemaphoreType.DMA,
            pltpu.SemaphoreType.DMA,
            pltpu.SemaphoreType.DMA,
            pltpu.SemaphoreType.DMA,
            pltpu.SemaphoreType.DMA,
            pltpu.SemaphoreType.DMA,
        ],
    )
    def gather_scale(idx_hbm, table_hbm, out_hbm, idx_v,
                     pb0, pb1, pb2, pb3, ob0, ob1,
                     gg0, gg1, gg2, gg3, go0, go1):
        wid = lax.axis_index("s") * _NC + lax.axis_index("c")
        row0 = wid * n_chunks

        pltpu.sync_copy(idx_hbm.at[pl.ds(row0, n_chunks)], idx_v)

        def fire_gather(g, pb, sem):
            pltpu.async_copy(table_hbm.at[idx_v.at[g]], pb, sem)

        def scale(pb, ob):
            def row(r, _):
                vals = [pb[r, pl.ds(16 * c, 16)] * SCALE
                        for c in range(D // 16)]
                for c in range(D // 16):
                    ob[r, pl.ds(16 * c, 16)] = vals[c]
                return 0

            lax.fori_loop(0, _CHUNK, row, 0)

        def out_slice(g):
            return out_hbm.at[pl.ds((row0 + g) * _CHUNK, _CHUNK)]

        def half(g, pb, ob, gg, go):
            @pl.when(g < n_chunks)
            def _():
                pltpu.make_async_copy(
                    table_hbm.at[idx_v.at[g]], pb, gg).wait()

                @pl.when(g >= 2)
                def _():
                    pltpu.make_async_copy(ob, out_slice(g - 2), go).wait()

                scale(pb, ob)
                pltpu.async_copy(ob, out_slice(g), go)

            @pl.when(g + 4 < n_chunks)
            def _():
                fire_gather(g + 4, pb, gg)

        fire_gather(0, pb0, gg0)
        fire_gather(1, pb1, gg1)
        fire_gather(2, pb2, gg2)
        fire_gather(3, pb3, gg3)

        def body(h, _):
            g = 4 * h
            half(g, pb0, ob0, gg0, go0)
            half(g + 1, pb1, ob1, gg1, go1)
            half(g + 2, pb2, ob0, gg2, go0)
            half(g + 3, pb3, ob1, gg3, go1)
            return 0

        lax.fori_loop(0, n_chunks // 4, body, 0)
        pltpu.make_async_copy(ob0, out_slice(0), go0).wait()
        pltpu.make_async_copy(ob1, out_slice(0), go1).wait()

    return gather_scale


def kernel(x, table):
    orig_shape = x.shape
    B = x.size
    idx = jnp.reshape(x.astype(jnp.int32), (B // _CHUNK, _CHUNK))
    out = _make_gather(B, D_MODEL)(idx, table)
    return jnp.reshape(out, orig_shape + (D_MODEL,))

# --- scband reference (transcript-rebuilt; emitter-appended) ---
"""Pipeline reference for scband-embedding-2430951489947 (READ-ONLY COPY).

The authoritative reference and input builder live on the scoring server;
editing this copy changes nothing except your own understanding.
"""

import jax, jax.numpy as jnp
import numpy as np
import math

D_MODEL = 64
VOCAB_SIZE = 1000000

def setup_inputs(seed: int = 0) -> dict:
    key = jax.random.key(seed)
    k1, k2 = jax.random.split(key)
    x = jax.random.randint(k1, (4096, 200), 0, VOCAB_SIZE, dtype=jnp.int64 if jax.config.jax_enable_x64 else jnp.int32)
    table = jax.random.normal(k2, (VOCAB_SIZE, D_MODEL), dtype=jnp.float32)
    return {"x": x, "table": table}

def reference(x, table):
    # Faithful to: self.embedding(x) * math.sqrt(self.d_model)
    emb = jnp.take(table, x, axis=0)
    return emb * math.sqrt(D_MODEL)

if __name__ == "__main__":
    import jax
    _d = setup_inputs()
    print(jax.jit(kernel)(*tuple(_d.values())))

</pallas_src>

<mosaic_0001>
#map = affine_map<(d0, d1) -> (0, 0)>
module attributes {stable_mosaic.version = 14 : i64} {
  func.func @gather_scale(%arg0: i32, %arg1: i32, %arg2: memref<6400x128xi32, #tpu.memory_space<hbm>>, %arg3: memref<1000000x64xf32, #tpu.memory_space<hbm>>, %arg4: memref<819200x64xf32, #tpu.memory_space<hbm>>, %arg5: memref<200x128xi32, #tpu.memory_space<vmem>>, %arg6: memref<128x64xf32, #tpu.memory_space<vmem>>, %arg7: memref<128x64xf32, #tpu.memory_space<vmem>>, %arg8: memref<128x64xf32, #tpu.memory_space<vmem>>, %arg9: memref<128x64xf32, #tpu.memory_space<vmem>>, %arg10: memref<128x64xf32, #tpu.memory_space<vmem>>, %arg11: memref<128x64xf32, #tpu.memory_space<vmem>>, %arg12: memref<!tpu.dma_semaphore, #tpu.memory_space<semaphore_mem>>, %arg13: memref<!tpu.dma_semaphore, #tpu.memory_space<semaphore_mem>>, %arg14: memref<!tpu.dma_semaphore, #tpu.memory_space<semaphore_mem>>, %arg15: memref<!tpu.dma_semaphore, #tpu.memory_space<semaphore_mem>>, %arg16: memref<!tpu.dma_semaphore, #tpu.memory_space<semaphore_mem>>, %arg17: memref<!tpu.dma_semaphore, #tpu.memory_space<semaphore_mem>>) attributes {dimension_semantics = [#tpu.dimension_semantics<core_parallel>, #tpu.dimension_semantics<subcore_parallel>], iteration_bounds = array<i64: 2, 16>, scalar_prefetch = 0 : i64, scratch_operands = 13 : i64, tpu.core_type = #tpu.core_type<sc_vector_subcore>, window_params = [{transform_indices = #map}, {transform_indices = #map}, {transform_indices = #map}]} {
    %mul3A = arith.constant 2 : i32
    %mul3A_0 = arith.muli %arg1, %mul3A : i32
    %add3A = arith.addi %mul3A_0, %arg0 : i32
    %mul3A_1 = arith.constant 200 : i32
    %mul3A_2 = arith.muli %add3A, %mul3A_1 : i32
    "tpu.region"() ({
      %run_scoped3A = tpu.sem_alloc : memref<!tpu.dma_semaphore, #tpu.memory_space<semaphore_mem>>
      %dma_start3A_51 = arith.constant 0 : i32
      %dma_start3A_52 = tpu.memref_slice %arg2[%mul3A_2, %dma_start3A_51] : memref<6400x128xi32, #tpu.memory_space<hbm>> -> memref<200x128xi32, #tpu.memory_space<hbm>>
      %dma_start3A_53 = arith.constant 0 : i32
      %dma_start3A_54 = tpu.memref_slice %arg2[%mul3A_2, %dma_start3A_53] : memref<6400x128xi32, #tpu.memory_space<hbm>> -> memref<200x128xi32, #tpu.memory_space<hbm>>
      tpu.enqueue_dma source(%dma_start3A_54 : memref<200x128xi32, #tpu.memory_space<hbm>>) target(%arg5 : memref<200x128xi32, #tpu.memory_space<vmem>>) target_semaphore(%run_scoped3A : memref<!tpu.dma_semaphore, #tpu.memory_space<semaphore_mem>>)
      %dma_wait3A_55 = arith.constant 0 : i32
      %dma_wait3A_56 = tpu.memref_slice %arg2[%mul3A_2, %dma_wait3A_55] : memref<6400x128xi32, #tpu.memory_space<hbm>> -> memref<200x128xi32, #tpu.memory_space<hbm>>
      %dma_wait3A_57 = arith.constant 0 : i32
      %dma_wait3A_58 = tpu.memref_slice %arg2[%mul3A_2, %dma_wait3A_57] : memref<6400x128xi32, #tpu.memory_space<hbm>> -> memref<200x128xi32, #tpu.memory_space<hbm>>
      tpu.wait_dma2 semaphore(%run_scoped3A : memref<!tpu.dma_semaphore, #tpu.memory_space<semaphore_mem>>) src(%dma_wait3A_58 : memref<200x128xi32, #tpu.memory_space<hbm>>) dst(%arg5 : memref<200x128xi32, #tpu.memory_space<vmem>>)
      tpu.yield
    }) : () -> ()
    %dma_start3A = arith.constant 0 : i32
    %dma_start3A_3 = arith.constant 0 : i32
    %dma_start3A_4 = tpu.memref_slice %arg5[%dma_start3A, %dma_start3A_3] : memref<200x128xi32, #tpu.memory_space<vmem>> -> memref<1x128xi32, #tpu.memory_space<vmem>>
    %dma_start3A_5 = tpu.memref_squeeze %dma_start3A_4 : memref<1x128xi32, #tpu.memory_space<vmem>> -> memref<128xi32, #tpu.memory_space<vmem>>
    %dma_start3A_6 = arith.constant 0 : i32
    %dma_start3A_7 = arith.constant 0 : i32
    %dma_start3A_8 = tpu.memref_slice %arg3[%dma_start3A_6, %dma_start3A_7] : memref<1000000x64xf32, #tpu.memory_space<hbm>> -> memref<1000000x64xf32, #tpu.memory_space<hbm>>
    tpu.enqueue_indirect_dma source(%dma_start3A_8 : memref<1000000x64xf32, #tpu.memory_space<hbm>>) target(%arg6 : memref<128x64xf32, #tpu.memory_space<vmem>>) offsets(%dma_start3A_5 : memref<128xi32, #tpu.memory_space<vmem>>) semaphore(%arg12 : memref<!tpu.dma_semaphore, #tpu.memory_space<semaphore_mem>>)
    %dma_start3A_9 = arith.constant 1 : i32
    %dma_start3A_10 = arith.constant 0 : i32
    %dma_start3A_11 = tpu.memref_slice %arg5[%dma_start3A_9, %dma_start3A_10] : memref<200x128xi32, #tpu.memory_space<vmem>> -> memref<1x128xi32, #tpu.memory_space<vmem>>
    %dma_start3A_12 = tpu.memref_squeeze %dma_start3A_11 : memref<1x128xi32, #tpu.memory_space<vmem>> -> memref<128xi32, #tpu.memory_space<vmem>>
    %dma_start3A_13 = arith.constant 0 : i32
    %dma_start3A_14 = arith.constant 0 : i32
    %dma_start3A_15 = tpu.memref_slice %arg3[%dma_start3A_13, %dma_start3A_14] : memref<1000000x64xf32, #tpu.memory_space<hbm>> -> memref<1000000x64xf32, #tpu.memory_space<hbm>>
    tpu.enqueue_indirect_dma source(%dma_start3A_15 : memref<1000000x64xf32, #tpu.memory_space<hbm>>) target(%arg7 : memref<128x64xf32, #tpu.memory_space<vmem>>) offsets(%dma_start3A_12 : memref<128xi32, #tpu.memory_space<vmem>>) semaphore(%arg13 : memref<!tpu.dma_semaphore, #tpu.memory_space<semaphore_mem>>)
    %dma_start3A_16 = arith.constant 2 : i32
    %dma_start3A_17 = arith.constant 0 : i32
    %dma_start3A_18 = tpu.memref_slice %arg5[%dma_start3A_16, %dma_start3A_17] : memref<200x128xi32, #tpu.memory_space<vmem>> -> memref<1x128xi32, #tpu.memory_space<vmem>>
    %dma_start3A_19 = tpu.memref_squeeze %dma_start3A_18 : memref<1x128xi32, #tpu.memory_space<vmem>> -> memref<128xi32, #tpu.memory_space<vmem>>
    %dma_start3A_20 = arith.constant 0 : i32
    %dma_start3A_21 = arith.constant 0 : i32
    %dma_start3A_22 = tpu.memref_slice %arg3[%dma_start3A_20, %dma_start3A_21] : memref<1000000x64xf32, #tpu.memory_space<hbm>> -> memref<1000000x64xf32, #tpu.memory_space<hbm>>
    tpu.enqueue_indirect_dma source(%dma_start3A_22 : memref<1000000x64xf32, #tpu.memory_space<hbm>>) target(%arg8 : memref<128x64xf32, #tpu.memory_space<vmem>>) offsets(%dma_start3A_19 : memref<128xi32, #tpu.memory_space<vmem>>) semaphore(%arg14 : memref<!tpu.dma_semaphore, #tpu.memory_space<semaphore_mem>>)
    %dma_start3A_23 = arith.constant 3 : i32
    %dma_start3A_24 = arith.constant 0 : i32
    %dma_start3A_25 = tpu.memref_slice %arg5[%dma_start3A_23, %dma_start3A_24] : memref<200x128xi32, #tpu.memory_space<vmem>> -> memref<1x128xi32, #tpu.memory_space<vmem>>
    %dma_start3A_26 = tpu.memref_squeeze %dma_start3A_25 : memref<1x128xi32, #tpu.memory_space<vmem>> -> memref<128xi32, #tpu.memory_space<vmem>>
    %dma_start3A_27 = arith.constant 0 : i32
    %dma_start3A_28 = arith.constant 0 : i32
    %dma_start3A_29 = tpu.memref_slice %arg3[%dma_start3A_27, %dma_start3A_28] : memref<1000000x64xf32, #tpu.memory_space<hbm>> -> memref<1000000x64xf32, #tpu.memory_space<hbm>>
    tpu.enqueue_indirect_dma source(%dma_start3A_29 : memref<1000000x64xf32, #tpu.memory_space<hbm>>) target(%arg9 : memref<128x64xf32, #tpu.memory_space<vmem>>) offsets(%dma_start3A_26 : memref<128xi32, #tpu.memory_space<vmem>>) semaphore(%arg15 : memref<!tpu.dma_semaphore, #tpu.memory_space<semaphore_mem>>)
    %scan3A = arith.constant 0 : i32
    %scan3A_30 = arith.constant 0 : i32
    %scan3A_31 = arith.constant 50 : i32
    %scan3A_32 = arith.addi %scan3A_30, %scan3A_31 : i32
    %scan3A_33 = arith.constant 1 : i32
    %scan3A_34 = scf.for %scan3A_51 = %scan3A_30 to %scan3A_32 step %scan3A_33 iter_args(%scan3A_52 = %scan3A) -> (i32)  : i32 {
      %mul3A_53 = arith.constant 4 : i32
      %mul3A_54 = arith.muli %mul3A_53, %scan3A_51 : i32
      %lt3A = arith.constant 200 : i32
      %lt3A_55 = arith.cmpi slt, %mul3A_54, %lt3A : i32
      %convert_element_type3A = arith.extui %lt3A_55 : i1 to i32
      %cond3A = arith.constant 0 : i32
      %cond3A_56 = arith.cmpi ne, %convert_element_type3A, %cond3A : i32
      scf.if %cond3A_56 {
        %dma_wait3A_107 = arith.constant 0 : i32
        %dma_wait3A_108 = tpu.memref_slice %arg5[%mul3A_54, %dma_wait3A_107] : memref<200x128xi32, #tpu.memory_space<vmem>> -> memref<1x128xi32, #tpu.memory_space<vmem>>
        %dma_wait3A_109 = tpu.memref_squeeze %dma_wait3A_108 : memref<1x128xi32, #tpu.memory_space<vmem>> -> memref<128xi32, #tpu.memory_space<vmem>>
        %dma_wait3A_110 = arith.constant 0 : i32
        %dma_wait3A_111 = arith.constant 0 : i32
        %dma_wait3A_112 = tpu.memref_slice %arg3[%dma_wait3A_110, %dma_wait3A_111] : memref<1000000x64xf32, #tpu.memory_space<hbm>> -> memref<1000000x64xf32, #tpu.memory_space<hbm>>
        tpu.wait_indirect_dma semaphore(%arg12 : memref<!tpu.dma_semaphore, #tpu.memory_space<semaphore_mem>>) src(%dma_wait3A_112 : memref<1000000x64xf32, #tpu.memory_space<hbm>>) dst(%arg6 : memref<128x64xf32, #tpu.memory_space<vmem>>)
        %ge3A = arith.constant 2 : i32
        %ge3A_113 = arith.cmpi sge, %mul3A_54, %ge3A : i32
        %convert_element_type3A_114 = arith.extui %ge3A_113 : i1 to i32
        %cond3A_115 = arith.constant 0 : i32
        %cond3A_116 = arith.cmpi ne, %convert_element_type3A_114, %cond3A_115 : i32
        scf.if %cond3A_116 {
          %sub3A = arith.constant 2 : i32
          %sub3A_131 = arith.subi %mul3A_54, %sub3A : i32
          %add3A_132 = arith.addi %mul3A_2, %sub3A_131 : i32
          %mul3A_133 = arith.constant 128 : i32
          %mul3A_134 = arith.muli %add3A_132, %mul3A_133 : i32
          %dma_wait3A_135 = arith.constant 0 : i32
          %dma_wait3A_136 = tpu.memref_slice %arg4[%mul3A_134, %dma_wait3A_135] : memref<819200x64xf32, #tpu.memory_space<hbm>> -> memref<128x64xf32, #tpu.memory_space<hbm>>
          %dma_wait3A_137 = arith.constant 0 : i32
          %dma_wait3A_138 = tpu.memref_slice %arg4[%mul3A_134, %dma_wait3A_137] : memref<819200x64xf32, #tpu.memory_space<hbm>> -> memref<128x64xf32, #tpu.memory_space<hbm>>
          tpu.wait_dma2 semaphore(%arg16 : memref<!tpu.dma_semaphore, #tpu.memory_space<semaphore_mem>>) src(%arg10 : memref<128x64xf32, #tpu.memory_space<vmem>>) dst(%dma_wait3A_138 : memref<128x64xf32, #tpu.memory_space<hbm>>)
        } else {
        }
        %scan3A_117 = arith.constant 0 : i32
        %scan3A_118 = arith.constant 0 : i32
        %scan3A_119 = arith.constant 128 : i32
        %scan3A_120 = arith.addi %scan3A_118, %scan3A_119 : i32
        %scan3A_121 = arith.constant 1 : i32
        %scan3A_122 = scf.for %scan3A_131 = %scan3A_118 to %scan3A_120 step %scan3A_121 iter_args(%scan3A_132 = %scan3A_117) -> (i32)  : i32 {
          %get3A = arith.index_cast %scan3A_131 : i32 to index
          %get3A_133 = arith.constant 0 : index
          %get3A_134 = tpu.vector_load %arg6[%get3A, %get3A_133] {strides = array<i32>} : memref<128x64xf32, #tpu.memory_space<vmem>>, vector<1x16xf32>,
          %get3A_135 = vector.shape_cast %get3A_134 : vector<1x16xf32> to vector<16xf32>
          %mul3A_136 = arith.constant 8.000000e+00 : f32
          %mul3A_137 = vector.broadcast %mul3A_136 : f32 to vector<16xf32>
          %mul3A_138 = arith.mulf %get3A_135, %mul3A_137 : vector<16xf32>
          %get3A_139 = arith.index_cast %scan3A_131 : i32 to index
          %get3A_140 = arith.constant 16 : index
          %get3A_141 = tpu.vector_load %arg6[%get3A_139, %get3A_140] {strides = array<i32>} : memref<128x64xf32, #tpu.memory_space<vmem>>, vector<1x16xf32>,
          %get3A_142 = vector.shape_cast %get3A_141 : vector<1x16xf32> to vector<16xf32>
          %mul3A_143 = arith.constant 8.000000e+00 : f32
          %mul3A_144 = vector.broadcast %mul3A_143 : f32 to vector<16xf32>
          %mul3A_145 = arith.mulf %get3A_142, %mul3A_144 : vector<16xf32>
          %get3A_146 = arith.index_cast %scan3A_131 : i32 to index
          %get3A_147 = arith.constant 32 : index
          %get3A_148 = tpu.vector_load %arg6[%get3A_146, %get3A_147] {strides = array<i32>} : memref<128x64xf32, #tpu.memory_space<vmem>>, vector<1x16xf32>,
          %get3A_149 = vector.shape_cast %get3A_148 : vector<1x16xf32> to vector<16xf32>
          %mul3A_150 = arith.constant 8.000000e+00 : f32
          %mul3A_151 = vector.broadcast %mul3A_150 : f32 to vector<16xf32>
          %mul3A_152 = arith.mulf %get3A_149, %mul3A_151 : vector<16xf32>
          %get3A_153 = arith.index_cast %scan3A_131 : i32 to index
          %get3A_154 = arith.constant 48 : index
          %get3A_155 = tpu.vector_load %arg6[%get3A_153, %get3A_154] {strides = array<i32>} : memref<128x64xf32, #tpu.memory_space<vmem>>, vector<1x16xf32>,
          %get3A_156 = vector.shape_cast %get3A_155 : vector<1x16xf32> to vector<16xf32>
          %mul3A_157 = arith.constant 8.000000e+00 : f32
          %mul3A_158 = vector.broadcast %mul3A_157 : f32 to vector<16xf32>
          %mul3A_159 = arith.mulf %get3A_156, %mul3A_158 : vector<16xf32>
          %swap3A = arith.index_cast %scan3A_131 : i32 to index
          %swap3A_160 = arith.constant 0 : index
          %swap3A_161 = tpu.vector_load %arg10[%swap3A, %swap3A_160] {strides = array<i32>} : memref<128x64xf32, #tpu.memory_space<vmem>>, vector<1x16xf32>,
          %swap3A_162 = vector.shape_cast %swap3A_161 : vector<1x16xf32> to vector<16xf32>
          %swap3A_163 = vector.shape_cast %mul3A_138 : vector<16xf32> to vector<1x16xf32>
          tpu.vector_store %arg10[%swap3A, %swap3A_160], %swap3A_163 {strides = array<i32>} : memref<128x64xf32, #tpu.memory_space<vmem>>, vector<1x16xf32>,
          %swap3A_164 = arith.index_cast %scan3A_131 : i32 to index
          %swap3A_165 = arith.constant 16 : index
          %swap3A_166 = tpu.vector_load %arg10[%swap3A_164, %swap3A_165] {strides = array<i32>} : memref<128x64xf32, #tpu.memory_space<vmem>>, vector<1x16xf32>,
          %swap3A_167 = vector.shape_cast %swap3A_166 : vector<1x16xf32> to vector<16xf32>
          %swap3A_168 = vector.shape_cast %mul3A_145 : vector<16xf32> to vector<1x16xf32>
          tpu.vector_store %arg10[%swap3A_164, %swap3A_165], %swap3A_168 {strides = array<i32>} : memref<128x64xf32, #tpu.memory_space<vmem>>, vector<1x16xf32>,
          %swap3A_169 = arith.index_cast %scan3A_131 : i32 to index
          %swap3A_170 = arith.constant 32 : index
          %swap3A_171 = tpu.vector_load %arg10[%swap3A_169, %swap3A_170] {strides = array<i32>} : memref<128x64xf32, #tpu.memory_space<vmem>>, vector<1x16xf32>,
          %swap3A_172 = vector.shape_cast %swap3A_171 : vector<1x16xf32> to vector<16xf32>
          %swap3A_173 = vector.shape_cast %mul3A_152 : vector<16xf32> to vector<1x16xf32>
          tpu.vector_store %arg10[%swap3A_169, %swap3A_170], %swap3A_173 {strides = array<i32>} : memref<128x64xf32, #tpu.memory_space<vmem>>, vector<1x16xf32>,
          %swap3A_174 = arith.index_cast %scan3A_131 : i32 to index
          %swap3A_175 = arith.constant 48 : index
          %swap3A_176 = tpu.vector_load %arg10[%swap3A_174, %swap3A_175] {strides = array<i32>} : memref<128x64xf32, #tpu.memory_space<vmem>>, vector<1x16xf32>,
          %swap3A_177 = vector.shape_cast %swap3A_176 : vector<1x16xf32> to vector<16xf32>
          %swap3A_178 = vector.shape_cast %mul3A_159 : vector<16xf32> to vector<1x16xf32>
          tpu.vector_store %arg10[%swap3A_174, %swap3A_175], %swap3A_178 {strides = array<i32>} : memref<128x64xf32, #tpu.memory_space<vmem>>, vector<1x16xf32>,
          %scan3A_179 = arith.constant 0 : i32
          scf.yield %scan3A_179 : i32
        }
        %scan3A_123 = arith.constant 128 : i32
        %add3A_124 = arith.addi %mul3A_2, %mul3A_54 : i32
        %mul3A_125 = arith.constant 128 : i32
        %mul3A_126 = arith.muli %add3A_124, %mul3A_125 : i32
        %dma_start3A_127 = arith.constant 0 : i32
        %dma_start3A_128 = tpu.memref_slice %arg4[%mul3A_126, %dma_start3A_127] : memref<819200x64xf32, #tpu.memory_space<hbm>> -> memref<128x64xf32, #tpu.memory_space<hbm>>
        %dma_start3A_129 = arith.constant 0 : i32
        %dma_start3A_130 = tpu.memref_slice %arg4[%mul3A_126, %dma_start3A_129] : memref<819200x64xf32, #tpu.memory_space<hbm>> -> memref<128x64xf32, #tpu.memory_space<hbm>>
        tpu.enqueue_dma source(%arg10 : memref<128x64xf32, #tpu.memory_space<vmem>>) target(%dma_start3A_130 : memref<128x64xf32, #tpu.memory_space<hbm>>) target_semaphore(%arg16 : memref<!tpu.dma_semaphore, #tpu.memory_space<semaphore_mem>>)
      } else {
      }
      %add3A_57 = arith.constant 4 : i32
      %add3A_58 = arith.addi %mul3A_54, %add3A_57 : i32
      %lt3A_59 = arith.constant 200 : i32
      %lt3A_60 = arith.cmpi slt, %add3A_58, %lt3A_59 : i32
      %convert_element_type3A_61 = arith.extui %lt3A_60 : i1 to i32
      %cond3A_62 = arith.constant 0 : i32
      %cond3A_63 = arith.cmpi ne, %convert_element_type3A_61, %cond3A_62 : i32
      scf.if %cond3A_63 {
        %add3A_107 = arith.constant 4 : i32
        %add3A_108 = arith.addi %mul3A_54, %add3A_107 : i32
        %dma_start3A_109 = arith.constant 0 : i32
        %dma_start3A_110 = tpu.memref_slice %arg5[%add3A_108, %dma_start3A_109] : memref<200x128xi32, #tpu.memory_space<vmem>> -> memref<1x128xi32, #tpu.memory_space<vmem>>
        %dma_start3A_111 = tpu.memref_squeeze %dma_start3A_110 : memref<1x128xi32, #tpu.memory_space<vmem>> -> memref<128xi32, #tpu.memory_space<vmem>>
        %dma_start3A_112 = arith.constant 0 : i32
        %dma_start3A_113 = arith.constant 0 : i32
        %dma_start3A_114 = tpu.memref_slice %arg3[%dma_start3A_112, %dma_start3A_113] : memref<1000000x64xf32, #tpu.memory_space<hbm>> -> memref<1000000x64xf32, #tpu.memory_space<hbm>>
        tpu.enqueue_indirect_dma source(%dma_start3A_114 : memref<1000000x64xf32, #tpu.memory_space<hbm>>) target(%arg6 : memref<128x64xf32, #tpu.memory_space<vmem>>) offsets(%dma_start3A_111 : memref<128xi32, #tpu.memory_space<vmem>>) semaphore(%arg12 : memref<!tpu.dma_semaphore, #tpu.memory_space<semaphore_mem>>)
      } else {
      }
      %add3A_64 = arith.constant 1 : i32
      %add3A_65 = arith.addi %mul3A_54, %add3A_64 : i32
      %lt3A_66 = arith.constant 200 : i32
      %lt3A_67 = arith.cmpi slt, %add3A_65, %lt3A_66 : i32
      %convert_element_type3A_68 = arith.extui %lt3A_67 : i1 to i32
      %cond3A_69 = arith.constant 0 : i32
      %cond3A_70 = arith.cmpi ne, %convert_element_type3A_68, %cond3A_69 : i32
      scf.if %cond3A_70 {
        %dma_wait3A_107 = arith.constant 0 : i32
        %dma_wait3A_108 = tpu.memref_slice %arg5[%add3A_65, %dma_wait3A_107] : memref<200x128xi32, #tpu.memory_space<vmem>> -> memref<1x128xi32, #tpu.memory_space<vmem>>
        %dma_wait3A_109 = tpu.memref_squeeze %dma_wait3A_108 : memref<1x128xi32, #tpu.memory_space<vmem>> -> memref<128xi32, #tpu.memory_space<vmem>>
        %dma_wait3A_110 = arith.constant 0 : i32
        %dma_wait3A_111 = arith.constant 0 : i32
        %dma_wait3A_112 = tpu.memref_slice %arg3[%dma_wait3A_110, %dma_wait3A_111] : memref<1000000x64xf32, #tpu.memory_space<hbm>> -> memref<1000000x64xf32, #tpu.memory_space<hbm>>
        tpu.wait_indirect_dma semaphore(%arg13 : memref<!tpu.dma_semaphore, #tpu.memory_space<semaphore_mem>>) src(%dma_wait3A_112 : memref<1000000x64xf32, #tpu.memory_space<hbm>>) dst(%arg7 : memref<128x64xf32, #tpu.memory_space<vmem>>)
        %ge3A = arith.constant 2 : i32
        %ge3A_113 = arith.cmpi sge, %add3A_65, %ge3A : i32
        %convert_element_type3A_114 = arith.extui %ge3A_113 : i1 to i32
        %cond3A_115 = arith.constant 0 : i32
        %cond3A_116 = arith.cmpi ne, %convert_element_type3A_114, %cond3A_115 : i32
        scf.if %cond3A_116 {
          %sub3A = arith.constant 2 : i32
          %sub3A_131 = arith.subi %add3A_65, %sub3A : i32
          %add3A_132 = arith.addi %mul3A_2, %sub3A_131 : i32
          %mul3A_133 = arith.constant 128 : i32
          %mul3A_134 = arith.muli %add3A_132, %mul3A_133 : i32
          %dma_wait3A_135 = arith.constant 0 : i32
          %dma_wait3A_136 = tpu.memref_slice %arg4[%mul3A_134, %dma_wait3A_135] : memref<819200x64xf32, #tpu.memory_space<hbm>> -> memref<128x64xf32, #tpu.memory_space<hbm>>
          %dma_wait3A_137 = arith.constant 0 : i32
          %dma_wait3A_138 = tpu.memref_slice %arg4[%mul3A_134, %dma_wait3A_137] : memref<819200x64xf32, #tpu.memory_space<hbm>> -> memref<128x64xf32, #tpu.memory_space<hbm>>
          tpu.wait_dma2 semaphore(%arg17 : memref<!tpu.dma_semaphore, #tpu.memory_space<semaphore_mem>>) src(%arg11 : memref<128x64xf32, #tpu.memory_space<vmem>>) dst(%dma_wait3A_138 : memref<128x64xf32, #tpu.memory_space<hbm>>)
        } else {
        }
        %scan3A_117 = arith.constant 0 : i32
        %scan3A_118 = arith.constant 0 : i32
        %scan3A_119 = arith.constant 128 : i32
        %scan3A_120 = arith.addi %scan3A_118, %scan3A_119 : i32
        %scan3A_121 = arith.constant 1 : i32
        %scan3A_122 = scf.for %scan3A_131 = %scan3A_118 to %scan3A_120 step %scan3A_121 iter_args(%scan3A_132 = %scan3A_117) -> (i32)  : i32 {
          %get3A = arith.index_cast %scan3A_131 : i32 to index
          %get3A_133 = arith.constant 0 : index
          %get3A_134 = tpu.vector_load %arg7[%get3A, %get3A_133] {strides = array<i32>} : memref<128x64xf32, #tpu.memory_space<vmem>>, vector<1x16xf32>,
          %get3A_135 = vector.shape_cast %get3A_134 : vector<1x16xf32> to vector<16xf32>
          %mul3A_136 = arith.constant 8.000000e+00 : f32
          %mul3A_137 = vector.broadcast %mul3A_136 : f32 to vector<16xf32>
          %mul3A_138 = arith.mulf %get3A_135, %mul3A_137 : vector<16xf32>
          %get3A_139 = arith.index_cast %scan3A_131 : i32 to index
          %get3A_140 = arith.constant 16 : index
          %get3A_141 = tpu.vector_load %arg7[%get3A_139, %get3A_140] {strides = array<i32>} : memref<128x64xf32, #tpu.memory_space<vmem>>, vector<1x16xf32>,
          %get3A_142 = vector.shape_cast %get3A_141 : vector<1x16xf32> to vector<16xf32>
          %mul3A_143 = arith.constant 8.000000e+00 : f32
          %mul3A_144 = vector.broadcast %mul3A_143 : f32 to vector<16xf32>
          %mul3A_145 = arith.mulf %get3A_142, %mul3A_144 : vector<16xf32>
          %get3A_146 = arith.index_cast %scan3A_131 : i32 to index
          %get3A_147 = arith.constant 32 : index
          %get3A_148 = tpu.vector_load %arg7[%get3A_146, %get3A_147] {strides = array<i32>} : memref<128x64xf32, #tpu.memory_space<vmem>>, vector<1x16xf32>,
          %get3A_149 = vector.shape_cast %get3A_148 : vector<1x16xf32> to vector<16xf32>
          %mul3A_150 = arith.constant 8.000000e+00 : f32
          %mul3A_151 = vector.broadcast %mul3A_150 : f32 to vector<16xf32>
          %mul3A_152 = arith.mulf %get3A_149, %mul3A_151 : vector<16xf32>
          %get3A_153 = arith.index_cast %scan3A_131 : i32 to index
          %get3A_154 = arith.constant 48 : index
          %get3A_155 = tpu.vector_load %arg7[%get3A_153, %get3A_154] {strides = array<i32>} : memref<128x64xf32, #tpu.memory_space<vmem>>, vector<1x16xf32>,
          %get3A_156 = vector.shape_cast %get3A_155 : vector<1x16xf32> to vector<16xf32>
          %mul3A_157 = arith.constant 8.000000e+00 : f32
          %mul3A_158 = vector.broadcast %mul3A_157 : f32 to vector<16xf32>
          %mul3A_159 = arith.mulf %get3A_156, %mul3A_158 : vector<16xf32>
          %swap3A = arith.index_cast %scan3A_131 : i32 to index
          %swap3A_160 = arith.constant 0 : index
          %swap3A_161 = tpu.vector_load %arg11[%swap3A, %swap3A_160] {strides = array<i32>} : memref<128x64xf32, #tpu.memory_space<vmem>>, vector<1x16xf32>,
          %swap3A_162 = vector.shape_cast %swap3A_161 : vector<1x16xf32> to vector<16xf32>
          %swap3A_163 = vector.shape_cast %mul3A_138 : vector<16xf32> to vector<1x16xf32>
          tpu.vector_store %arg11[%swap3A, %swap3A_160], %swap3A_163 {strides = array<i32>} : memref<128x64xf32, #tpu.memory_space<vmem>>, vector<1x16xf32>,
          %swap3A_164 = arith.index_cast %scan3A_131 : i32 to index
          %swap3A_165 = arith.constant 16 : index
          %swap3A_166 = tpu.vector_load %arg11[%swap3A_164, %swap3A_165] {strides = array<i32>} : memref<128x64xf32, #tpu.memory_space<vmem>>, vector<1x16xf32>,
          %swap3A_167 = vector.shape_cast %swap3A_166 : vector<1x16xf32> to vector<16xf32>
          %swap3A_168 = vector.shape_cast %mul3A_145 : vector<16xf32> to vector<1x16xf32>
          tpu.vector_store %arg11[%swap3A_164, %swap3A_165], %swap3A_168 {strides = array<i32>} : memref<128x64xf32, #tpu.memory_space<vmem>>, vector<1x16xf32>,
          %swap3A_169 = arith.index_cast %scan3A_131 : i32 to index
          %swap3A_170 = arith.constant 32 : index
          %swap3A_171 = tpu.vector_load %arg11[%swap3A_169, %swap3A_170] {strides = array<i32>} : memref<128x64xf32, #tpu.memory_space<vmem>>, vector<1x16xf32>,
          %swap3A_172 = vector.shape_cast %swap3A_171 : vector<1x16xf32> to vector<16xf32>
          %swap3A_173 = vector.shape_cast %mul3A_152 : vector<16xf32> to vector<1x16xf32>
          tpu.vector_store %arg11[%swap3A_169, %swap3A_170], %swap3A_173 {strides = array<i32>} : memref<128x64xf32, #tpu.memory_space<vmem>>, vector<1x16xf32>,
          %swap3A_174 = arith.index_cast %scan3A_131 : i32 to index
          %swap3A_175 = arith.constant 48 : index
          %swap3A_176 = tpu.vector_load %arg11[%swap3A_174, %swap3A_175] {strides = array<i32>} : memref<128x64xf32, #tpu.memory_space<vmem>>, vector<1x16xf32>,
          %swap3A_177 = vector.shape_cast %swap3A_176 : vector<1x16xf32> to vector<16xf32>
          %swap3A_178 = vector.shape_cast %mul3A_159 : vector<16xf32> to vector<1x16xf32>
          tpu.vector_store %arg11[%swap3A_174, %swap3A_175], %swap3A_178 {strides = array<i32>} : memref<128x64xf32, #tpu.memory_space<vmem>>, vector<1x16xf32>,
          %scan3A_179 = arith.constant 0 : i32
          scf.yield %scan3A_179 : i32
        }
        %scan3A_123 = arith.constant 128 : i32
        %add3A_124 = arith.addi %mul3A_2, %add3A_65 : i32
        %mul3A_125 = arith.constant 128 : i32
        %mul3A_126 = arith.muli %add3A_124, %mul3A_125 : i32
        %dma_start3A_127 = arith.constant 0 : i32
        %dma_start3A_128 = tpu.memref_slice %arg4[%mul3A_126, %dma_start3A_127] : memref<819200x64xf32, #tpu.memory_space<hbm>> -> memref<128x64xf32, #tpu.memory_space<hbm>>
        %dma_start3A_129 = arith.constant 0 : i32
        %dma_start3A_130 = tpu.memref_slice %arg4[%mul3A_126, %dma_start3A_129] : memref<819200x64xf32, #tpu.memory_space<hbm>> -> memref<128x64xf32, #tpu.memory_space<hbm>>
        tpu.enqueue_dma source(%arg11 : memref<128x64xf32, #tpu.memory_space<vmem>>) target(%dma_start3A_130 : memref<128x64xf32, #tpu.memory_space<hbm>>) target_semaphore(%arg17 : memref<!tpu.dma_semaphore, #tpu.memory_space<semaphore_mem>>)
      } else {
      }
      %add3A_71 = arith.constant 4 : i32
      %add3A_72 = arith.addi %add3A_65, %add3A_71 : i32
      %lt3A_73 = arith.constant 200 : i32
      %lt3A_74 = arith.cmpi slt, %add3A_72, %lt3A_73 : i32
      %convert_element_type3A_75 = arith.extui %lt3A_74 : i1 to i32
      %cond3A_76 = arith.constant 0 : i32
      %cond3A_77 = arith.cmpi ne, %convert_element_type3A_75, %cond3A_76 : i32
      scf.if %cond3A_77 {
        %add3A_107 = arith.constant 4 : i32
        %add3A_108 = arith.addi %add3A_65, %add3A_107 : i32
        %dma_start3A_109 = arith.constant 0 : i32
        %dma_start3A_110 = tpu.memref_slice %arg5[%add3A_108, %dma_start3A_109] : memref<200x128xi32, #tpu.memory_space<vmem>> -> memref<1x128xi32, #tpu.memory_space<vmem>>
        %dma_start3A_111 = tpu.memref_squeeze %dma_start3A_110 : memref<1x128xi32, #tpu.memory_space<vmem>> -> memref<128xi32, #tpu.memory_space<vmem>>
        %dma_start3A_112 = arith.constant 0 : i32
        %dma_start3A_113 = arith.constant 0 : i32
        %dma_start3A_114 = tpu.memref_slice %arg3[%dma_start3A_112, %dma_start3A_113] : memref<1000000x64xf32, #tpu.memory_space<hbm>> -> memref<1000000x64xf32, #tpu.memory_space<hbm>>
        tpu.enqueue_indirect_dma source(%dma_start3A_114 : memref<1000000x64xf32, #tpu.memory_space<hbm>>) target(%arg7 : memref<128x64xf32, #tpu.memory_space<vmem>>) offsets(%dma_start3A_111 : memref<128xi32, #tpu.memory_space<vmem>>) semaphore(%arg13 : memref<!tpu.dma_semaphore, #tpu.memory_space<semaphore_mem>>)
      } else {
      }
      %add3A_78 = arith.constant 2 : i32
      %add3A_79 = arith.addi %mul3A_54, %add3A_78 : i32
      %lt3A_80 = arith.constant 200 : i32
      %lt3A_81 = arith.cmpi slt, %add3A_79, %lt3A_80 : i32
      %convert_element_type3A_82 = arith.extui %lt3A_81 : i1 to i32
      %cond3A_83 = arith.constant 0 : i32
      %cond3A_84 = arith.cmpi ne, %convert_element_type3A_82, %cond3A_83 : i32
      scf.if %cond3A_84 {
        %dma_wait3A_107 = arith.constant 0 : i32
        %dma_wait3A_108 = tpu.memref_slice %arg5[%add3A_79, %dma_wait3A_107] : memref<200x128xi32, #tpu.memory_space<vmem>> -> memref<1x128xi32, #tpu.memory_space<vmem>>
        %dma_wait3A_109 = tpu.memref_squeeze %dma_wait3A_108 : memref<1x128xi32, #tpu.memory_space<vmem>> -> memref<128xi32, #tpu.memory_space<vmem>>
        %dma_wait3A_110 = arith.constant 0 : i32
        %dma_wait3A_111 = arith.constant 0 : i32
        %dma_wait3A_112 = tpu.memref_slice %arg3[%dma_wait3A_110, %dma_wait3A_111] : memref<1000000x64xf32, #tpu.memory_space<hbm>> -> memref<1000000x64xf32, #tpu.memory_space<hbm>>
        tpu.wait_indirect_dma semaphore(%arg14 : memref<!tpu.dma_semaphore, #tpu.memory_space<semaphore_mem>>) src(%dma_wait3A_112 : memref<1000000x64xf32, #tpu.memory_space<hbm>>) dst(%arg8 : memref<128x64xf32, #tpu.memory_space<vmem>>)
        %ge3A = arith.constant 2 : i32
        %ge3A_113 = arith.cmpi sge, %add3A_79, %ge3A : i32
        %convert_element_type3A_114 = arith.extui %ge3A_113 : i1 to i32
        %cond3A_115 = arith.constant 0 : i32
        %cond3A_116 = arith.cmpi ne, %convert_element_type3A_114, %cond3A_115 : i32
        scf.if %cond3A_116 {
          %sub3A = arith.constant 2 : i32
          %sub3A_131 = arith.subi %add3A_79, %sub3A : i32
          %add3A_132 = arith.addi %mul3A_2, %sub3A_131 : i32
          %mul3A_133 = arith.constant 128 : i32
          %mul3A_134 = arith.muli %add3A_132, %mul3A_133 : i32
          %dma_wait3A_135 = arith.constant 0 : i32
          %dma_wait3A_136 = tpu.memref_slice %arg4[%mul3A_134, %dma_wait3A_135] : memref<819200x64xf32, #tpu.memory_space<hbm>> -> memref<128x64xf32, #tpu.memory_space<hbm>>
          %dma_wait3A_137 = arith.constant 0 : i32
          %dma_wait3A_138 = tpu.memref_slice %arg4[%mul3A_134, %dma_wait3A_137] : memref<819200x64xf32, #tpu.memory_space<hbm>> -> memref<128x64xf32, #tpu.memory_space<hbm>>
          tpu.wait_dma2 semaphore(%arg16 : memref<!tpu.dma_semaphore, #tpu.memory_space<semaphore_mem>>) src(%arg10 : memref<128x64xf32, #tpu.memory_space<vmem>>) dst(%dma_wait3A_138 : memref<128x64xf32, #tpu.memory_space<hbm>>)
        } else {
        }
        %scan3A_117 = arith.constant 0 : i32
        %scan3A_118 = arith.constant 0 : i32
        %scan3A_119 = arith.constant 128 : i32
        %scan3A_120 = arith.addi %scan3A_118, %scan3A_119 : i32
        %scan3A_121 = arith.constant 1 : i32
        %scan3A_122 = scf.for %scan3A_131 = %scan3A_118 to %scan3A_120 step %scan3A_121 iter_args(%scan3A_132 = %scan3A_117) -> (i32)  : i32 {
          %get3A = arith.index_cast %scan3A_131 : i32 to index
          %get3A_133 = arith.constant 0 : index
          %get3A_134 = tpu.vector_load %arg8[%get3A, %get3A_133] {strides = array<i32>} : memref<128x64xf32, #tpu.memory_space<vmem>>, vector<1x16xf32>,
          %get3A_135 = vector.shape_cast %get3A_134 : vector<1x16xf32> to vector<16xf32>
          %mul3A_136 = arith.constant 8.000000e+00 : f32
          %mul3A_137 = vector.broadcast %mul3A_136 : f32 to vector<16xf32>
          %mul3A_138 = arith.mulf %get3A_135, %mul3A_137 : vector<16xf32>
          %get3A_139 = arith.index_cast %scan3A_131 : i32 to index
          %get3A_140 = arith.constant 16 : index
          %get3A_141 = tpu.vector_load %arg8[%get3A_139, %get3A_140] {strides = array<i32>} : memref<128x64xf32, #tpu.memory_space<vmem>>, vector<1x16xf32>,
          %get3A_142 = vector.shape_cast %get3A_141 : vector<1x16xf32> to vector<16xf32>
          %mul3A_143 = arith.constant 8.000000e+00 : f32
          %mul3A_144 = vector.broadcast %mul3A_143 : f32 to vector<16xf32>
          %mul3A_145 = arith.mulf %get3A_142, %mul3A_144 : vector<16xf32>
          %get3A_146 = arith.index_cast %scan3A_131 : i32 to index
          %get3A_147 = arith.constant 32 : index
          %get3A_148 = tpu.vector_load %arg8[%get3A_146, %get3A_147] {strides = array<i32>} : memref<128x64xf32, #tpu.memory_space<vmem>>, vector<1x16xf32>,
          %get3A_149 = vector.shape_cast %get3A_148 : vector<1x16xf32> to vector<16xf32>
          %mul3A_150 = arith.constant 8.000000e+00 : f32
          %mul3A_151 = vector.broadcast %mul3A_150 : f32 to vector<16xf32>
          %mul3A_152 = arith.mulf %get3A_149, %mul3A_151 : vector<16xf32>
          %get3A_153 = arith.index_cast %scan3A_131 : i32 to index
          %get3A_154 = arith.constant 48 : index
          %get3A_155 = tpu.vector_load %arg8[%get3A_153, %get3A_154] {strides = array<i32>} : memref<128x64xf32, #tpu.memory_space<vmem>>, vector<1x16xf32>,
          %get3A_156 = vector.shape_cast %get3A_155 : vector<1x16xf32> to vector<16xf32>
          %mul3A_157 = arith.constant 8.000000e+00 : f32
          %mul3A_158 = vector.broadcast %mul3A_157 : f32 to vector<16xf32>
          %mul3A_159 = arith.mulf %get3A_156, %mul3A_158 : vector<16xf32>
          %swap3A = arith.index_cast %scan3A_131 : i32 to index
          %swap3A_160 = arith.constant 0 : index
          %swap3A_161 = tpu.vector_load %arg10[%swap3A, %swap3A_160] {strides = array<i32>} : memref<128x64xf32, #tpu.memory_space<vmem>>, vector<1x16xf32>,
          %swap3A_162 = vector.shape_cast %swap3A_161 : vector<1x16xf32> to vector<16xf32>
          %swap3A_163 = vector.shape_cast %mul3A_138 : vector<16xf32> to vector<1x16xf32>
          tpu.vector_store %arg10[%swap3A, %swap3A_160], %swap3A_163 {strides = array<i32>} : memref<128x64xf32, #tpu.memory_space<vmem>>, vector<1x16xf32>,
          %swap3A_164 = arith.index_cast %scan3A_131 : i32 to index
          %swap3A_165 = arith.constant 16 : index
          %swap3A_166 = tpu.vector_load %arg10[%swap3A_164, %swap3A_165] {strides = array<i32>} : memref<128x64xf32, #tpu.memory_space<vmem>>, vector<1x16xf32>,
          %swap3A_167 = vector.shape_cast %swap3A_166 : vector<1x16xf32> to vector<16xf32>
          %swap3A_168 = vector.shape_cast %mul3A_145 : vector<16xf32> to vector<1x16xf32>
          tpu.vector_store %arg10[%swap3A_164, %swap3A_165], %swap3A_168 {strides = array<i32>} : memref<128x64xf32, #tpu.memory_space<vmem>>, vector<1x16xf32>,
          %swap3A_169 = arith.index_cast %scan3A_131 : i32 to index
          %swap3A_170 = arith.constant 32 : index
          %swap3A_171 = tpu.vector_load %arg10[%swap3A_169, %swap3A_170] {strides = array<i32>} : memref<128x64xf32, #tpu.memory_space<vmem>>, vector<1x16xf32>,
          %swap3A_172 = vector.shape_cast %swap3A_171 : vector<1x16xf32> to vector<16xf32>
          %swap3A_173 = vector.shape_cast %mul3A_152 : vector<16xf32> to vector<1x16xf32>
          tpu.vector_store %arg10[%swap3A_169, %swap3A_170], %swap3A_173 {strides = array<i32>} : memref<128x64xf32, #tpu.memory_space<vmem>>, vector<1x16xf32>,
          %swap3A_174 = arith.index_cast %scan3A_131 : i32 to index
          %swap3A_175 = arith.constant 48 : index
          %swap3A_176 = tpu.vector_load %arg10[%swap3A_174, %swap3A_175] {strides = array<i32>} : memref<128x64xf32, #tpu.memory_space<vmem>>, vector<1x16xf32>,
          %swap3A_177 = vector.shape_cast %swap3A_176 : vector<1x16xf32> to vector<16xf32>
          %swap3A_178 = vector.shape_cast %mul3A_159 : vector<16xf32> to vector<1x16xf32>
          tpu.vector_store %arg10[%swap3A_174, %swap3A_175], %swap3A_178 {strides = array<i32>} : memref<128x64xf32, #tpu.memory_space<vmem>>, vector<1x16xf32>,
          %scan3A_179 = arith.constant 0 : i32
          scf.yield %scan3A_179 : i32
        }
        %scan3A_123 = arith.constant 128 : i32
        %add3A_124 = arith.addi %mul3A_2, %add3A_79 : i32
        %mul3A_125 = arith.constant 128 : i32
        %mul3A_126 = arith.muli %add3A_124, %mul3A_125 : i32
        %dma_start3A_127 = arith.constant 0 : i32
        %dma_start3A_128 = tpu.memref_slice %arg4[%mul3A_126, %dma_start3A_127] : memref<819200x64xf32, #tpu.memory_space<hbm>> -> memref<128x64xf32, #tpu.memory_space<hbm>>
        %dma_start3A_129 = arith.constant 0 : i32
        %dma_start3A_130 = tpu.memref_slice %arg4[%mul3A_126, %dma_start3A_129] : memref<819200x64xf32, #tpu.memory_space<hbm>> -> memref<128x64xf32, #tpu.memory_space<hbm>>
        tpu.enqueue_dma source(%arg10 : memref<128x64xf32, #tpu.memory_space<vmem>>) target(%dma_start3A_130 : memref<128x64xf32, #tpu.memory_space<hbm>>) target_semaphore(%arg16 : memref<!tpu.dma_semaphore, #tpu.memory_space<semaphore_mem>>)
      } else {
      }
      %add3A_85 = arith.constant 4 : i32
      %add3A_86 = arith.addi %add3A_79, %add3A_85 : i32
      %lt3A_87 = arith.constant 200 : i32
      %lt3A_88 = arith.cmpi slt, %add3A_86, %lt3A_87 : i32
      %convert_element_type3A_89 = arith.extui %lt3A_88 : i1 to i32
      %cond3A_90 = arith.constant 0 : i32
      %cond3A_91 = arith.cmpi ne, %convert_element_type3A_89, %cond3A_90 : i32
      scf.if %cond3A_91 {
        %add3A_107 = arith.constant 4 : i32
        %add3A_108 = arith.addi %add3A_79, %add3A_107 : i32
        %dma_start3A_109 = arith.constant 0 : i32
        %dma_start3A_110 = tpu.memref_slice %arg5[%add3A_108, %dma_start3A_109] : memref<200x128xi32, #tpu.memory_space<vmem>> -> memref<1x128xi32, #tpu.memory_space<vmem>>
        %dma_start3A_111 = tpu.memref_squeeze %dma_start3A_110 : memref<1x128xi32, #tpu.memory_space<vmem>> -> memref<128xi32, #tpu.memory_space<vmem>>
        %dma_start3A_112 = arith.constant 0 : i32
        %dma_start3A_113 = arith.constant 0 : i32
        %dma_start3A_114 = tpu.memref_slice %arg3[%dma_start3A_112, %dma_start3A_113] : memref<1000000x64xf32, #tpu.memory_space<hbm>> -> memref<1000000x64xf32, #tpu.memory_space<hbm>>
        tpu.enqueue_indirect_dma source(%dma_start3A_114 : memref<1000000x64xf32, #tpu.memory_space<hbm>>) target(%arg8 : memref<128x64xf32, #tpu.memory_space<vmem>>) offsets(%dma_start3A_111 : memref<128xi32, #tpu.memory_space<vmem>>) semaphore(%arg14 : memref<!tpu.dma_semaphore, #tpu.memory_space<semaphore_mem>>)
      } else {
      }
      %add3A_92 = arith.constant 3 : i32
      %add3A_93 = arith.addi %mul3A_54, %add3A_92 : i32
      %lt3A_94 = arith.constant 200 : i32
      %lt3A_95 = arith.cmpi slt, %add3A_93, %lt3A_94 : i32
      %convert_element_type3A_96 = arith.extui %lt3A_95 : i1 to i32
      %cond3A_97 = arith.constant 0 : i32
      %cond3A_98 = arith.cmpi ne, %convert_element_type3A_96, %cond3A_97 : i32
      scf.if %cond3A_98 {
        %dma_wait3A_107 = arith.constant 0 : i32
        %dma_wait3A_108 = tpu.memref_slice %arg5[%add3A_93, %dma_wait3A_107] : memref<200x128xi32, #tpu.memory_space<vmem>> -> memref<1x128xi32, #tpu.memory_space<vmem>>
        %dma_wait3A_109 = tpu.memref_squeeze %dma_wait3A_108 : memref<1x128xi32, #tpu.memory_space<vmem>> -> memref<128xi32, #tpu.memory_space<vmem>>
        %dma_wait3A_110 = arith.constant 0 : i32
        %dma_wait3A_111 = arith.constant 0 : i32
        %dma_wait3A_112 = tpu.memref_slice %arg3[%dma_wait3A_110, %dma_wait3A_111] : memref<1000000x64xf32, #tpu.memory_space<hbm>> -> memref<1000000x64xf32, #tpu.memory_space<hbm>>
        tpu.wait_indirect_dma semaphore(%arg15 : memref<!tpu.dma_semaphore, #tpu.memory_space<semaphore_mem>>) src(%dma_wait3A_112 : memref<1000000x64xf32, #tpu.memory_space<hbm>>) dst(%arg9 : memref<128x64xf32, #tpu.memory_space<vmem>>)
        %ge3A = arith.constant 2 : i32
        %ge3A_113 = arith.cmpi sge, %add3A_93, %ge3A : i32
        %convert_element_type3A_114 = arith.extui %ge3A_113 : i1 to i32
        %cond3A_115 = arith.constant 0 : i32
        %cond3A_116 = arith.cmpi ne, %convert_element_type3A_114, %cond3A_115 : i32
        scf.if %cond3A_116 {
          %sub3A = arith.constant 2 : i32
          %sub3A_131 = arith.subi %add3A_93, %sub3A : i32
          %add3A_132 = arith.addi %mul3A_2, %sub3A_131 : i32
          %mul3A_133 = arith.constant 128 : i32
          %mul3A_134 = arith.muli %add3A_132, %mul3A_133 : i32
          %dma_wait3A_135 = arith.constant 0 : i32
          %dma_wait3A_136 = tpu.memref_slice %arg4[%mul3A_134, %dma_wait3A_135] : memref<819200x64xf32, #tpu.memory_space<hbm>> -> memref<128x64xf32, #tpu.memory_space<hbm>>
          %dma_wait3A_137 = arith.constant 0 : i32
          %dma_wait3A_138 = tpu.memref_slice %arg4[%mul3A_134, %dma_wait3A_137] : memref<819200x64xf32, #tpu.memory_space<hbm>> -> memref<128x64xf32, #tpu.memory_space<hbm>>
          tpu.wait_dma2 semaphore(%arg17 : memref<!tpu.dma_semaphore, #tpu.memory_space<semaphore_mem>>) src(%arg11 : memref<128x64xf32, #tpu.memory_space<vmem>>) dst(%dma_wait3A_138 : memref<128x64xf32, #tpu.memory_space<hbm>>)
        } else {
        }
        %scan3A_117 = arith.constant 0 : i32
        %scan3A_118 = arith.constant 0 : i32
        %scan3A_119 = arith.constant 128 : i32
        %scan3A_120 = arith.addi %scan3A_118, %scan3A_119 : i32
        %scan3A_121 = arith.constant 1 : i32
        %scan3A_122 = scf.for %scan3A_131 = %scan3A_118 to %scan3A_120 step %scan3A_121 iter_args(%scan3A_132 = %scan3A_117) -> (i32)  : i32 {
          %get3A = arith.index_cast %scan3A_131 : i32 to index
          %get3A_133 = arith.constant 0 : index
          %get3A_134 = tpu.vector_load %arg9[%get3A, %get3A_133] {strides = array<i32>} : memref<128x64xf32, #tpu.memory_space<vmem>>, vector<1x16xf32>,
          %get3A_135 = vector.shape_cast %get3A_134 : vector<1x16xf32> to vector<16xf32>
          %mul3A_136 = arith.constant 8.000000e+00 : f32
          %mul3A_137 = vector.broadcast %mul3A_136 : f32 to vector<16xf32>
          %mul3A_138 = arith.mulf %get3A_135, %mul3A_137 : vector<16xf32>
          %get3A_139 = arith.index_cast %scan3A_131 : i32 to index
          %get3A_140 = arith.constant 16 : index
          %get3A_141 = tpu.vector_load %arg9[%get3A_139, %get3A_140] {strides = array<i32>} : memref<128x64xf32, #tpu.memory_space<vmem>>, vector<1x16xf32>,
          %get3A_142 = vector.shape_cast %get3A_141 : vector<1x16xf32> to vector<16xf32>
          %mul3A_143 = arith.constant 8.000000e+00 : f32
          %mul3A_144 = vector.broadcast %mul3A_143 : f32 to vector<16xf32>
          %mul3A_145 = arith.mulf %get3A_142, %mul3A_144 : vector<16xf32>
          %get3A_146 = arith.index_cast %scan3A_131 : i32 to index
          %get3A_147 = arith.constant 32 : index
          %get3A_148 = tpu.vector_load %arg9[%get3A_146, %get3A_147] {strides = array<i32>} : memref<128x64xf32, #tpu.memory_space<vmem>>, vector<1x16xf32>,
          %get3A_149 = vector.shape_cast %get3A_148 : vector<1x16xf32> to vector<16xf32>
          %mul3A_150 = arith.constant 8.000000e+00 : f32
          %mul3A_151 = vector.broadcast %mul3A_150 : f32 to vector<16xf32>
          %mul3A_152 = arith.mulf %get3A_149, %mul3A_151 : vector<16xf32>
          %get3A_153 = arith.index_cast %scan3A_131 : i32 to index
          %get3A_154 = arith.constant 48 : index
          %get3A_155 = tpu.vector_load %arg9[%get3A_153, %get3A_154] {strides = array<i32>} : memref<128x64xf32, #tpu.memory_space<vmem>>, vector<1x16xf32>,
          %get3A_156 = vector.shape_cast %get3A_155 : vector<1x16xf32> to vector<16xf32>
          %mul3A_157 = arith.constant 8.000000e+00 : f32
          %mul3A_158 = vector.broadcast %mul3A_157 : f32 to vector<16xf32>
          %mul3A_159 = arith.mulf %get3A_156, %mul3A_158 : vector<16xf32>
          %swap3A = arith.index_cast %scan3A_131 : i32 to index
          %swap3A_160 = arith.constant 0 : index
          %swap3A_161 = tpu.vector_load %arg11[%swap3A, %swap3A_160] {strides = array<i32>} : memref<128x64xf32, #tpu.memory_space<vmem>>, vector<1x16xf32>,
          %swap3A_162 = vector.shape_cast %swap3A_161 : vector<1x16xf32> to vector<16xf32>
          %swap3A_163 = vector.shape_cast %mul3A_138 : vector<16xf32> to vector<1x16xf32>
          tpu.vector_store %arg11[%swap3A, %swap3A_160], %swap3A_163 {strides = array<i32>} : memref<128x64xf32, #tpu.memory_space<vmem>>, vector<1x16xf32>,
          %swap3A_164 = arith.index_cast %scan3A_131 : i32 to index
          %swap3A_165 = arith.constant 16 : index
          %swap3A_166 = tpu.vector_load %arg11[%swap3A_164, %swap3A_165] {strides = array<i32>} : memref<128x64xf32, #tpu.memory_space<vmem>>, vector<1x16xf32>,
          %swap3A_167 = vector.shape_cast %swap3A_166 : vector<1x16xf32> to vector<16xf32>
          %swap3A_168 = vector.shape_cast %mul3A_145 : vector<16xf32> to vector<1x16xf32>
          tpu.vector_store %arg11[%swap3A_164, %swap3A_165], %swap3A_168 {strides = array<i32>} : memref<128x64xf32, #tpu.memory_space<vmem>>, vector<1x16xf32>,
          %swap3A_169 = arith.index_cast %scan3A_131 : i32 to index
          %swap3A_170 = arith.constant 32 : index
          %swap3A_171 = tpu.vector_load %arg11[%swap3A_169, %swap3A_170] {strides = array<i32>} : memref<128x64xf32, #tpu.memory_space<vmem>>, vector<1x16xf32>,
          %swap3A_172 = vector.shape_cast %swap3A_171 : vector<1x16xf32> to vector<16xf32>
          %swap3A_173 = vector.shape_cast %mul3A_152 : vector<16xf32> to vector<1x16xf32>
          tpu.vector_store %arg11[%swap3A_169, %swap3A_170], %swap3A_173 {strides = array<i32>} : memref<128x64xf32, #tpu.memory_space<vmem>>, vector<1x16xf32>,
          %swap3A_174 = arith.index_cast %scan3A_131 : i32 to index
          %swap3A_175 = arith.constant 48 : index
          %swap3A_176 = tpu.vector_load %arg11[%swap3A_174, %swap3A_175] {strides = array<i32>} : memref<128x64xf32, #tpu.memory_space<vmem>>, vector<1x16xf32>,
          %swap3A_177 = vector.shape_cast %swap3A_176 : vector<1x16xf32> to vector<16xf32>
          %swap3A_178 = vector.shape_cast %mul3A_159 : vector<16xf32> to vector<1x16xf32>
          tpu.vector_store %arg11[%swap3A_174, %swap3A_175], %swap3A_178 {strides = array<i32>} : memref<128x64xf32, #tpu.memory_space<vmem>>, vector<1x16xf32>,
          %scan3A_179 = arith.constant 0 : i32
          scf.yield %scan3A_179 : i32
        }
        %scan3A_123 = arith.constant 128 : i32
        %add3A_124 = arith.addi %mul3A_2, %add3A_93 : i32
        %mul3A_125 = arith.constant 128 : i32
        %mul3A_126 = arith.muli %add3A_124, %mul3A_125 : i32
        %dma_start3A_127 = arith.constant 0 : i32
        %dma_start3A_128 = tpu.memref_slice %arg4[%mul3A_126, %dma_start3A_127] : memref<819200x64xf32, #tpu.memory_space<hbm>> -> memref<128x64xf32, #tpu.memory_space<hbm>>
        %dma_start3A_129 = arith.constant 0 : i32
        %dma_start3A_130 = tpu.memref_slice %arg4[%mul3A_126, %dma_start3A_129] : memref<819200x64xf32, #tpu.memory_space<hbm>> -> memref<128x64xf32, #tpu.memory_space<hbm>>
        tpu.enqueue_dma source(%arg11 : memref<128x64xf32, #tpu.memory_space<vmem>>) target(%dma_start3A_130 : memref<128x64xf32, #tpu.memory_space<hbm>>) target_semaphore(%arg17 : memref<!tpu.dma_semaphore, #tpu.memory_space<semaphore_mem>>)
      } else {
      }
      %add3A_99 = arith.constant 4 : i32
      %add3A_100 = arith.addi %add3A_93, %add3A_99 : i32
      %lt3A_101 = arith.constant 200 : i32
      %lt3A_102 = arith.cmpi slt, %add3A_100, %lt3A_101 : i32
      %convert_element_type3A_103 = arith.extui %lt3A_102 : i1 to i32
      %cond3A_104 = arith.constant 0 : i32
      %cond3A_105 = arith.cmpi ne, %convert_element_type3A_103, %cond3A_104 : i32
      scf.if %cond3A_105 {
        %add3A_107 = arith.constant 4 : i32
        %add3A_108 = arith.addi %add3A_93, %add3A_107 : i32
        %dma_start3A_109 = arith.constant 0 : i32
        %dma_start3A_110 = tpu.memref_slice %arg5[%add3A_108, %dma_start3A_109] : memref<200x128xi32, #tpu.memory_space<vmem>> -> memref<1x128xi32, #tpu.memory_space<vmem>>
        %dma_start3A_111 = tpu.memref_squeeze %dma_start3A_110 : memref<1x128xi32, #tpu.memory_space<vmem>> -> memref<128xi32, #tpu.memory_space<vmem>>
        %dma_start3A_112 = arith.constant 0 : i32
        %dma_start3A_113 = arith.constant 0 : i32
        %dma_start3A_114 = tpu.memref_slice %arg3[%dma_start3A_112, %dma_start3A_113] : memref<1000000x64xf32, #tpu.memory_space<hbm>> -> memref<1000000x64xf32, #tpu.memory_space<hbm>>
        tpu.enqueue_indirect_dma source(%dma_start3A_114 : memref<1000000x64xf32, #tpu.memory_space<hbm>>) target(%arg9 : memref<128x64xf32, #tpu.memory_space<vmem>>) offsets(%dma_start3A_111 : memref<128xi32, #tpu.memory_space<vmem>>) semaphore(%arg15 : memref<!tpu.dma_semaphore, #tpu.memory_space<semaphore_mem>>)
      } else {
      }
      %scan3A_106 = arith.constant 0 : i32
      scf.yield %scan3A_106 : i32
    }
    %scan3A_35 = arith.constant 50 : i32
    %add3A_36 = arith.constant 0 : i32
    %add3A_37 = arith.addi %mul3A_2, %add3A_36 : i32
    %mul3A_38 = arith.constant 128 : i32
    %mul3A_39 = arith.muli %add3A_37, %mul3A_38 : i32
    %dma_wait3A = arith.constant 0 : i32
    %dma_wait3A_40 = tpu.memref_slice %arg4[%mul3A_39, %dma_wait3A] : memref<819200x64xf32, #tpu.memory_space<hbm>> -> memref<128x64xf32, #tpu.memory_space<hbm>>
    %dma_wait3A_41 = arith.constant 0 : i32
    %dma_wait3A_42 = tpu.memref_slice %arg4[%mul3A_39, %dma_wait3A_41] : memref<819200x64xf32, #tpu.memory_space<hbm>> -> memref<128x64xf32, #tpu.memory_space<hbm>>
    tpu.wait_dma2 semaphore(%arg16 : memref<!tpu.dma_semaphore, #tpu.memory_space<semaphore_mem>>) src(%arg10 : memref<128x64xf32, #tpu.memory_space<vmem>>) dst(%dma_wait3A_42 : memref<128x64xf32, #tpu.memory_space<hbm>>)
    %add3A_43 = arith.constant 0 : i32
    %add3A_44 = arith.addi %mul3A_2, %add3A_43 : i32
    %mul3A_45 = arith.constant 128 : i32
    %mul3A_46 = arith.muli %add3A_44, %mul3A_45 : i32
    %dma_wait3A_47 = arith.constant 0 : i32
    %dma_wait3A_48 = tpu.memref_slice %arg4[%mul3A_46, %dma_wait3A_47] : memref<819200x64xf32, #tpu.memory_space<hbm>> -> memref<128x64xf32, #tpu.memory_space<hbm>>
    %dma_wait3A_49 = arith.constant 0 : i32
    %dma_wait3A_50 = tpu.memref_slice %arg4[%mul3A_46, %dma_wait3A_49] : memref<819200x64xf32, #tpu.memory_space<hbm>> -> memref<128x64xf32, #tpu.memory_space<hbm>>
    tpu.wait_dma2 semaphore(%arg17 : memref<!tpu.dma_semaphore, #tpu.memory_space<semaphore_mem>>) src(%arg11 : memref<128x64xf32, #tpu.memory_space<vmem>>) dst(%dma_wait3A_50 : memref<128x64xf32, #tpu.memory_space<hbm>>)
    return
  }
}

</mosaic_0001>

<sc_bundles>
// kernel: kernel.3.cloned.1.call-start
scs
__scs_entry_jumppad:
0x0: {  	(pc) =	sbr.rel $0x88, $3  }
0x1: {  	(tag) =	ssettag $0x0;
	lr =	simm.s32 $0x1  }
0x2: {  	[smem:$0x3F9F] =	sst lr;
	_ =	strace $0xD0000000  }
0x3: {  	_ = 	snop  }
0x4: {  	_ = 	snop  }
0x5: {  	_ = 	snop  }
0x6: {  	_ = 	snop  }
0x7: {  	_ = 	snop  }
__scs_overlays_trampoline_lowered:
0x8: {  	[smem:$0x3FAE] =	sst s0  }
0x9: {  	[smem:$0x3FAF] =	sst s1  }
0xa: {  	[smem:$0x3FB0] =	sst s2  }
0xb: {  	[smem:$0x3FB1] =	sst s3  }
0xc: {  	[smem:$0x3FB2] =	sst s4  }
0xd: {  	[smem:$0x3FB3] =	sst s5  }
0xe: {  	[smem:$0x3FB4] =	sst s6  }
0xf: {  	[smem:$0x3FB5] =	sst s7  }
0x10: {  	[smem:$0x3FB6] =	sst s8  }
0x11: {  	[smem:$0x3FB7] =	sst s9;
	s0 =	simm.s32 @!p0 $0x0  }
0x12: {  	s1 =	sld [smem:$0x3F9D];
	s0 =	simm.s32 @p0 $0x1  }
0x13: {  	[smem:$0x3FB8] =	sst s0;
	s0 =	simm.s32 @!p1 $0x0  }
0x14: {  	s2 =	sld [smem:$0x3F9C];
	s0 =	simm.s32 @p1 $0x1  }
0x15: {  	[smem:$0x3FB9] =	sst s0;
	s0 =	simm.s32 @!p2 $0x0  }
0x16: {  	s3 =	sld [smem:$0x3FDB];
	s0 =	simm.s32 @p2 $0x1  }
0x17: {  	s4 =	simm.s32 $0x1BF5;
	[smem:$0x3FBB] =	sst s0  }
0x18: {  	s0 =	sld [smem:$0x3F9E];
	_ =	swait.ge [sflag:s4], $0x0  }
0x19: {  	s7 =	sld [smem:$0x3F9F]  }
0x1a: {  	s8 =	sadd.s32 $0xFFFFE003, lr  }
0x1b: {  	s9 =	sadd.s32 $0xFFFFFEF7, lr;
	s5 =	simm.s32 $0xFFFFFFFF;
	p2 =	slt.u32 s8, $0xFFFFF086  }
0x1c: {  	p1 =	slt.u32 s9, $0xF7A;
	s5 =	simm.s32 @!p2 $0x0  }
0x1d: {  	s5 =	simm.s32 @p1 $0x1;
	p0 =	seq.s32 s7, s2  }
0x1e: {  	s7 =	smul.u32 @!p0 $0xF7A, s2;
	p2 =	seq.s32 @!p0 s5, $0x0  }
0x1f: {  	s9 =	smul.u32 $0xF7A, s1;
	s8 =	simm.s32 @!p0 $0x1BF5;
	p2 =	por !p2, p0  }
0x20: {  	[sflag:s8] =	ssyncset.s32 @!p0 $0xFFFFF086;
	s6 =	sadd.s32 @!p0 s3, s7;
	s7 =	simm.s32 @!p0 $0x108  }
0x21: {  	s3 =	sadd.s32 s3, s9;
	s6 =	sadd.s32 @!p0 $0x88, s6;
	s7 =	simm.s32 @p2 $0x1082  }
0x22: {  	[simem:s7], [sflag:s8] =	dma.local @!p0 [hbm:s6], $0xF7A  }
0x23: {  	s9 =	sor.u32 $0xD0000000, s2;
	s6 =	simm.s32 $0x108;
	_ =	swait.ge @!p0 [sflag:s8], $0x0  }
0x24: {  	s3 =	sadd.s32 $0x88, s3;
	s6 =	simm.s32 @!p1 $0x1082;
	[sflag:s4] =	ssyncset.s32 $0xFFFFF086  }
0x25: {  	[simem:s6], [sflag:s4] =	dma.local [hbm:s3], $0xF7A  }
0x26: {  	[smem:$0x3F9F] =	sst s1;
	(tag) =	ssettag s2;
	_ =	strace s9  }
0x27: {  	s1 =	sld [smem:$0x3FAF]  }
0x28: {  	s2 =	sld [smem:$0x3FB0]  }
0x29: {  	s4 =	sld [smem:$0x3FB2]  }
0x2a: {  	p0 =	seq.s32 s5, $0x0;
	s5 =	sld [smem:$0x3FB3]  }
0x2b: {  	s6 =	sld [smem:$0x3FB4]  }
0x2c: {  	s7 =	sld [smem:$0x3FB5]  }
0x2d: {  	s3 =	simm.s32 $0x108;
	s8 =	sld [smem:$0x3FB6]  }
0x2e: {  	s3 =	simm.s32 @!p0 $0x1082;
	s9 =	sld [smem:$0x3FB7]  }
0x2f: {  	lr =	sadd.s32 s0, s3;
	s0 =	sld [smem:$0x3FAE]  }
0x30: {  	s3 =	sld [smem:$0x3FB1]  }
0x31: {  	[smem:$0x3FBA] =	sst s10  }
0x32: {  	s10 =	sld [smem:$0x3FB8];
	_ =	sdelay $0x3  }
0x33: {  	p0 =	seq.s32 s10, $0x1;
	s10 =	sld [smem:$0x3FBA];
	_ =	sdelay $0x3  }
0x34: {  	[smem:$0x3FBA] =	sst s10  }
0x35: {  	s10 =	sld [smem:$0x3FB9];
	_ =	sdelay $0x3  }
0x36: {  	p1 =	seq.s32 s10, $0x1;
	s10 =	sld [smem:$0x3FBA];
	_ =	sdelay $0x3  }
0x37: {  	[smem:$0x3FBA] =	sst s10  }
0x38: {  	s10 =	sld [smem:$0x3FBB]  }
0x39: {  	_ = 	snop;
	(pc) =	sbr.ind lr, $3  }
0x3a: {  	_ = 	snop  }
0x3b: {  	_ = 	snop  }
0x3c: {  	p2 =	seq.s32 s10, $0x1;
	s10 =	sld [smem:$0x3FBA]  }
0x3d: {  	_ =	shalt  }
0x3e: {  	_ =	shalt  }
0x3f: {  	_ =	shalt  }
0x40: {  	_ =	shalt  }
0x41: {  	_ =	shalt  }
0x42: {  	_ =	shalt  }
0x43: {  	_ =	shalt  }
0x44: {  	_ =	shalt  }
0x45: {  	_ =	shalt  }
0x46: {  	_ =	shalt  }
0x47: {  	_ =	shalt  }
0x48: {  	_ =	shalt  }
0x49: {  	_ =	shalt  }
0x4a: {  	_ =	shalt  }
0x4b: {  	_ =	shalt  }
0x4c: {  	_ =	shalt  }
0x4d: {  	_ =	shalt  }
0x4e: {  	_ =	shalt  }
0x4f: {  	_ =	shalt  }
0x50: {  	_ =	shalt  }
0x51: {  	_ =	shalt  }
0x52: {  	_ =	shalt  }
0x53: {  	_ =	shalt  }
0x54: {  	_ =	shalt  }
0x55: {  	_ =	shalt  }
0x56: {  	_ =	shalt  }
0x57: {  	_ =	shalt  }
0x58: {  	_ =	shalt  }
0x59: {  	_ =	shalt  }
0x5a: {  	_ =	shalt  }
0x5b: {  	_ =	shalt  }
0x5c: {  	_ =	shalt  }
0x5d: {  	_ =	shalt  }
0x5e: {  	_ =	shalt  }
0x5f: {  	_ =	shalt  }
0x60: {  	_ =	shalt  }
0x61: {  	_ =	shalt  }
0x62: {  	_ =	shalt  }
0x63: {  	_ =	shalt  }
0x64: {  	_ =	shalt  }
0x65: {  	_ =	shalt  }
0x66: {  	_ =	shalt  }
0x67: {  	_ =	shalt  }
0x68: {  	_ =	shalt  }
0x69: {  	_ =	shalt  }
0x6a: {  	_ =	shalt  }
0x6b: {  	_ =	shalt  }
0x6c: {  	_ =	shalt  }
0x6d: {  	_ =	shalt  }
0x6e: {  	_ =	shalt  }
0x6f: {  	_ =	shalt  }
0x70: {  	_ =	shalt  }
0x71: {  	_ =	shalt  }
0x72: {  	_ =	shalt  }
0x73: {  	_ =	shalt  }
0x74: {  	_ =	shalt  }
0x75: {  	_ =	shalt  }
0x76: {  	_ =	shalt  }
0x77: {  	_ =	shalt  }
0x78: {  	_ =	shalt  }
0x79: {  	_ =	shalt  }
0x7a: {  	_ =	shalt  }
0x7b: {  	_ =	shalt  }
0x7c: {  	_ =	shalt  }
0x7d: {  	_ =	shalt  }
0x7e: {  	_ =	shalt  }
0x7f: {  	_ =	shalt  }
0x80: {  	_ =	shalt  }
0x81: {  	_ =	shalt  }
0x82: {  	_ =	shalt  }
0x83: {  	_ =	shalt  }
0x84: {  	_ =	shalt  }
0x85: {  	_ =	shalt  }
0x86: {  	_ =	shalt  }
0x87: {  	_ =	shalt  }
.Lfunc_end0:
.L_simem_size_0:
called_computation.1_lowered:
.L_overlay_start_0:
0x88: {  	s2 =	sld [smem:$0x3FD9]  }
0x89: {  	s3 =	sld [smem:$0x3FFE];
	_ =	sdelay $0x1  }
0x8a: {  	s1 =	srdreg.scid  }
0x8b: {  	s0 =	sand.u32 $0x1, s1  }
0x8c: {  	s17 =	sshll.u32 s0, $0xA;
	s2 =	sadd.s32 s3, s2  }
0x8d: {  	s2 =	sadd.s32 s2, s17  }
0x8e: {  	[smem:$0x3FC6] =	sst s2  }
0x8f: {  	_ = 	snop  }
0x90: {  	s2 =	sld [smem:$0x3FD0];
	(tm) =	ssettm $0x1  }
0x91: {  	s18 =	sld [smem:$0x3FFB];
	_ =	sdelay $0x3  }
0x92: {  	_ =	strace s18  }
0x93: {  	s3 =	sld [smem:$0x3FFC];
	_ =	sdelay $0x3  }
0x94: {  	_ =	strace s3  }
0x95: {  	s3 =	sld [smem:$0x3FFD];
	_ =	sdelay $0x3  }
0x96: {  	_ =	strace s3  }
0x97: {  	_ =	strace $0x8FFFFFFF  }
0x98: {  	s19 =	sld [smem:$0x3FDB];
	_ =	sdelay $0x1  }
0x99: {  	s4 =	simm.s32 $_scs_section_size  }
0x9a: {  	s5 =	simm.s32 $_size__tile_overlayer_lowered;
	s6 =	simm.s32 $_tile_overlayer_lowered  }
0x9b: {  	s22 =	simm.s32 $0x1BFF;
	s21 =	sshll.u32 s6, $0x1;
	s3 =	sadd.s32 s4, s19  }
0x9c: {  	s7 =	simm.s32 $0x0;
	s20 =	sshll.u32 s5, $0x1;
	s5 =	sadd.s32 s21, s3  }
0x9d: {  	[timem:s7], [sflag:s22] =	dma.local [hbm:s5], s20  }
0x9e: {  	_ =	swait.ge [sflag:s22], s20  }
0x9f: {  	s4 =	ssub.s32 $0x0, s20;
	[sflag:s22] =	ssyncset.done $0x0  }
0xa0: {  	[sflag:s22] =	ssyncadd.s32 s4;
	_ =	sdelay $0x1  }
0xa1: {  	s23 =	simm.s32 $0x1B8B  }
0xa2: {  	_ =	swait.ge [sflag:s23], $0x1  }
0xa3: {  	[sflag:s23] =	ssyncset.done $0x0  }
0xa4: {  	s25 =	simm.s32 $0x1B8E;
	s24 =	sld [smem:$0x3FFE];
	[sflag:s23] =	ssyncadd.s32 $0xFFFFFFFF  }
0xa5: {  	s26 =	simm.s32 $execute0_lowered;
	[smem:$0x3FD2] =	sst s25  }
0xa6: {  	s5 =	sshll.u32 s26, $0x1;
	_ =	strace $0x80000046;
	[dreg:$0x1] =	wrdreg $0xFFFFFFFF  }
0xa7: {  	s28 =	simm.s32 $_size_execute0_lowered;
	s3 =	sadd.s32 s3, s5;
	[dreg:$0x0] =	wrdreg $0x0  }
0xa8: {  	s5 =	sshll.u32 s28, $0x1;
	[dreg:$0x2] =	wrdreg s3  }
0xa9: {  	[dreg:$0x3] =	wrdreg s5  }
0xaa: {  	[dreg:$0x4] =	wrdreg $0xC0  }
0xab: {  	_ =	task [dreg:s7], $0x5FFFF  }
0xac: {  	[dreg:$0x1] =	wrdreg $0xFFFFFFFF  }
0xad: {  	[dreg:$0x0] =	wrdreg $0x60  }
0xae: {  	[dreg:$0x2] =	wrdreg s24  }
0xaf: {  	[dreg:$0x3] =	wrdreg s2  }
0xb0: {  	[dreg:$0x4] =	wrdreg $0x9  }
0xb1: {  	_ =	task.clear_ibuf [dreg:s7], $0x5FFFF;
	_ =	strace $0x90000046  }
0xb2: {  	s29 =	simm.s32 $0x9;
	_ =	strace $0x80000048  }
0xb3: {  	_ =	swait.ge [sflag:s29], $0x1  }
0xb4: {  	[sflag:s29] =	ssyncadd.s32 $0xFFFFFFFF  }
0xb5: {  	_ =	strace $0x90000048  }
0xb6: {  	_ =	sfence  }
0xb7: {  	s30 =	sld [smem:$0x0];
	_ =	sdelay $0x2  }
0xb8: {  	s31 =	sshll.u32 s1, $0xD;
	s1 =	sshrl.u32 s1, $0x2  }
0xb9: {  	s3 =	sand.u32 $0x4000, s31;
	s1 =	sadd.s32 s1, s30  }
0xba: {  	s0 =	sor.u32 s3, s0;
	s1 =	sshll.u32 s1, $0x11  }
0xbb: {  	s0 =	sor.u32 s1, s0  }
0xbc: {  	s0 =	sadd.s32 $0x8F2B, s0  }
0xbd: {  	[sflag:s0] =	ssyncadd.remote.s32 $0x1  }
0xbe: {  	_ =	sfence.sel $0xFFFF  }
0xbf: {  	[dreg:$0x0] =	wrdreg $0xFFFFFFFF;
	(pc) =	sbr.abs _section_cstart, $3  }
0xc0: {  	[dreg:$0x1] =	wrdreg $0xFFFFFFFF  }
0xc1: {  	_ =	task.clear_ibuf [dreg:s7], $0x2FFFF;
	_ =	strace $0x9FFFFFFF  }
0xc2: {  	(tm) =	ssettm $0x7FFFFFFF  }
0xc3: {  	_ =	shalt  }
tec
execute0_lowered:
.L_overlay_start_1:
0x0: {  	(tag) =	ssettag $0x1  }
0x1: {  	s0 =	rddreg [dreg:$0x0]  }
0x2: {  	s1 =	srdreg.scid;
	s3 =	stileid.u32  }
0x3: {  	s2 =	rddreg [dreg:$0x1];
	s11 =	simm.s32 $0x7;
	s12 =	simm.s32 $0x80  }
0x4: {  	s13 =	simm.s32 $0x6400;
	s15 =	simm.s32 $0x100;
	s16 =	simm.s32 $0xA400  }
0x5: {  	s17 =	simm.s32 $0x180;
	s18 =	simm.s32 $0xC400;
	s19 =	simm.s32 $0x1  }
0x6: {  	s20 =	simm.s32 $0xE400;
	s21 =	simm.s32 $0x2;
	s22 =	simm.s32 $0x6  }
0x7: {  	s23 =	simm.s32 $0x10400;
	s1 =	sand.u32 $0x1, s1;
	s4 =	sshll.u32 s3, $0x1  }
0x8: {  	s24 =	simm.s32 $0x3;
	s25 =	simm.s32 $0x5;
	s4 =	sor.u32 s1, s4  }
0x9: {  	s26 =	simm.s32 $0x4;
	s28 =	simm.s32 $0x0;
	s5 =	smul.u32 $0xC80, s4  }
.Ltmp0:
0xa: {  	s3 =	simm.s32 $0x0;
	s1 =	ssub.s32 $0x2, s1;
	(pc) =	sbr.rel .LBB2_1-.Ltmp0, $4  }
0xb: {  	[smem:$0x7FF] =	sst s3;
	s7 =	sshrl.u32 s1, $0x1;
	s4 =	smul.u32 $0xC8, s4  }
0xc: {  	_ =	strace $0x80000047;
	s31 =	ssub.s32 s1, s7;
	s6 =	sadd.s32 s5, s0  }
0xd: {  	s5 =	sadd.s32 $0xF42E00, s0;
	s7 =	sor.u32 $0x1, s4;
	s8 =	sor.u32 $0x2, s4  }
0xe: {  	s9 =	sor.u32 $0x3, s4;
	s10 =	smax.u32 s31, $0x1;
	s6 =	sadd.s32 $0xA00, s6  }
.LBB2_16:
0xf: {  	s28 =	sadd.s32 $0x1, s28  }
0x10: {  	_ =	swait.ge [sflag:s25], $0x2000;
	p0 =	sne.s32 s28, s10  }
.Ltmp1:
0x11: {  	[sflag:s25] =	ssyncset.done $0x0;
	(pc) =	sbr.rel @!p0 .LBB2_17-.Ltmp1, $4  }
0x12: {  	[sflag:s25] =	ssyncadd.s32 $0xFFFFE000  }
0x13: {  	_ =	swait.ge [sflag:s22], $0x2000  }
0x14: {  	[sflag:s22] =	ssyncset.done $0x0  }
0x15: {  	[sflag:s22] =	ssyncadd.s32 $0xFFFFE000  }
.LBB2_1:
0x16: {  	[tilespmem:s3], [sflag:$0x7] =	stream.linear.gather [hbm4b:s6+s3], $0x6400, $0x38;
	[tilespmem:$0x12400] =	vst v63  }
0x17: {  	_ =	swait.ge [sflag:s11], $0x6400  }
0x18: {  	[sflag:s11] =	ssyncset.done $0x0  }
0x19: {  	[sflag:s11] =	ssyncadd.s32 $0xFFFF9C00  }
0x1a: {  	[tilespmem:s13], [sflag:$0x1] =	stream.indirect.gather [hbm4b:s5+s12], $0x40, s3, s12, $0xb8;
	[tilespmem:$0x12400] =	vst v63  }
0x1b: {  	s0 =	simm.s32 $0x8400  }
0x1c: {  	[tilespmem:s0], [sflag:$0x2] =	stream.indirect.gather [hbm4b:s5+s12], $0x40, s12, s12, $0xb8;
	[tilespmem:$0x12400] =	vst v63  }
0x1d: {  	_ = 	snop  }
0x1e: {  	[tilespmem:s16], [sflag:$0x3] =	stream.indirect.gather [hbm4b:s5+s12], $0x40, s15, s12, $0xb8;
	[tilespmem:$0x12400] =	vst v63  }
0x1f: {  	s29 =	simm.s32 $0x0  }
0x20: {  	[tilespmem:s18], [sflag:$0x4] =	stream.indirect.gather [hbm4b:s5+s12], $0x40, s17, s12, $0xb8;
	[tilespmem:$0x12400] =	vst v63  }
.LBB2_2:
0x21: {  	_ =	swait.ge [sflag:s19], $0x2000  }
0x22: {  	p0 =	seq.s32 s29, $0x0;
	[sflag:s19] =	ssyncset.done $0x0  }
0x23: {  	s0 =	simm.s32 @!p0 $0x5;
	[sflag:s19] =	ssyncadd.s32 $0xFFFFE000  }
0x24: {  	_ =	swait.ge @!p0 [sflag:s0], $0x2000  }
0x25: {  	[sflag:s0] =	ssyncset.done @!p0 $0x0  }
0x26: {  	s31 =	simm.s32 $0x0;
	[sflag:s0] =	ssyncadd.s32 @!p0 $0xFFFFE000  }
0x27: {  	v0 =	vld [tilespmem:s31+$0x6430]  }
0x28: {  	v1 =	vld [tilespmem:s31+$0x6400]  }
0x29: {  	v2 =	vld [tilespmem:s31+$0x6410]  }
0x2a: {  	v3 =	vld [tilespmem:s31+$0x6420]  }
0x2b: {  	s30 =	sshll.u32 s29, $0x2;
	s1 =	simm.s32 $0x100  }
.LBB2_3:
0x2c: {  	s0 =	sshra.s32 s1, $0x2;
	p1 =	sne.s32 s1, $0x7F00;
	s1 =	sadd.s32 $0x100, s1;
	v4 =	vmul.f32 $8.000000000e+00, v0  }
.Ltmp2:
0x2d: {  	v0 =	vld [tilespmem:s0+$0x6430];
	v5 =	vmul.f32 $8.000000000e+00, v1;
	(pc) =	sbr.rel @p1 .LBB2_3-.Ltmp2, $4  }
0x2e: {  	v1 =	vld [tilespmem:s0+$0x6400];
	v6 =	vmul.f32 $8.000000000e+00, v2;
	[tilespmem:s31+$0xE430] =	vst v4  }
0x2f: {  	v2 =	vld [tilespmem:s0+$0x6410];
	v4 =	vmul.f32 $8.000000000e+00, v3;
	[tilespmem:s31+$0xE400] =	vst v5  }
0x30: {  	v3 =	vld [tilespmem:s0+$0x6420];
	[tilespmem:s31+$0xE410] =	vst v6  }
0x31: {  	[tilespmem:s31+$0xE420] =	vst v4;
	s31 =	smov.u32 s0  }
0x32: {  	v0 =	vmul.f32 $8.000000000e+00, v0  }
0x33: {  	p1 =	sne.s32 s29, $0x31;
	v1 =	vmul.f32 $8.000000000e+00, v1  }
.Ltmp3:
0x34: {  	v2 =	vmul.f32 $8.000000000e+00, v2;
	[tilespmem:s31+$0xE430] =	vst v0;
	(pc) =	sbr.rel @p1 .LBB2_6-.Ltmp3, $4  }
0x35: {  	s0 =	sadd.s32 s4, s30;
	v63 =	vmul.f32 $8.000000000e+00, v3;
	[tilespmem:s31+$0xE400] =	vst v1  }
0x36: {  	s0 =	sshll.u32 s0, $0xA;
	[tilespmem:s31+$0xE410] =	vst v2  }
0x37: {  	s0 =	sadd.s32 s2, s0;
	[tilespmem:s31+$0xE420] =	vst v63  }
0x38: {  	[hbm4b:s0+s3] =	stream.linear.scatter [tilespmem:s20], [sflag:$0x5], $0x2000, $0x38;
	[tilespmem:$0x12400] =	vst v63  }
.Ltmp4:
0x39: {  	(pc) =	sbr.rel .LBB2_7-.Ltmp4, $4  }
0x3a: {  	_ = 	snop  }
0x3b: {  	_ =	swait.ge [sflag:s21], $0x2000  }
0x3c: {  	[sflag:s21] =	ssyncset.done $0x0  }
0x3d: {  	[sflag:s21] =	ssyncadd.s32 $0xFFFFE000  }
.LBB2_6:
0x3e: {  	s0 =	sshll.u32 s29, $0x9  }
0x3f: {  	s0 =	sand.u32 $0x3FFFFE00, s0  }
.Ltmp5:
0x40: {  	s0 =	sadd.s32 $0x200, s0;
	(pc) =	sbr.rel @p0 .LBB2_8-.Ltmp5, $4  }
0x41: {  	[tilespmem:s13], [sflag:$0x1] =	stream.indirect.gather [hbm4b:s5+s12], $0x40, s0, s12, $0xb8;
	[tilespmem:$0x12400] =	vst v63  }
0x42: {  	_ =	swait.ge [sflag:s21], $0x2000  }
0x43: {  	[sflag:s21] =	ssyncset.done $0x0  }
0x44: {  	[sflag:s21] =	ssyncadd.s32 $0xFFFFE000  }
.LBB2_7:
0x45: {  	_ =	swait.ge [sflag:s22], $0x2000  }
0x46: {  	[sflag:s22] =	ssyncset.done $0x0  }
0x47: {  	[sflag:s22] =	ssyncadd.s32 $0xFFFFE000  }
.LBB2_8:
0x48: {  	s31 =	simm.s32 $0x0  }
0x49: {  	v0 =	vld [tilespmem:s31+$0x8430]  }
0x4a: {  	v1 =	vld [tilespmem:s31+$0x8400]  }
0x4b: {  	v3 =	vld [tilespmem:s31+$0x8410]  }
0x4c: {  	v2 =	vld [tilespmem:s31+$0x8420]  }
0x4d: {  	s1 =	simm.s32 $0x100  }
.LBB2_9:
0x4e: {  	s0 =	sshra.s32 s1, $0x2;
	p0 =	sne.s32 s1, $0x7F00;
	s1 =	sadd.s32 $0x100, s1;
	v4 =	vmul.f32 $8.000000000e+00, v0  }
.Ltmp6:
0x4f: {  	v0 =	vld [tilespmem:s0+$0x8430];
	v5 =	vmul.f32 $8.000000000e+00, v1;
	(pc) =	sbr.rel @p0 .LBB2_9-.Ltmp6, $4  }
0x50: {  	v1 =	vld [tilespmem:s0+$0x8400];
	v6 =	vmul.f32 $8.000000000e+00, v3;
	[tilespmem:s31+$0x10430] =	vst v4  }
0x51: {  	v3 =	vld [tilespmem:s0+$0x8410];
	v4 =	vmul.f32 $8.000000000e+00, v2;
	[tilespmem:s31+$0x10400] =	vst v5  }
0x52: {  	v2 =	vld [tilespmem:s0+$0x8420];
	[tilespmem:s31+$0x10410] =	vst v6  }
0x53: {  	[tilespmem:s31+$0x10420] =	vst v4;
	s31 =	smov.u32 s0  }
0x54: {  	v0 =	vmul.f32 $8.000000000e+00, v0  }
0x55: {  	v1 =	vmul.f32 $8.000000000e+00, v1  }
0x56: {  	s0 =	sadd.s32 s30, s7;
	v3 =	vmul.f32 $8.000000000e+00, v3;
	[tilespmem:s31+$0x10430] =	vst v0  }
0x57: {  	s0 =	sshll.u32 s0, $0xA;
	v0 =	vmul.f32 $8.000000000e+00, v2;
	[tilespmem:s31+$0x10400] =	vst v1  }
0x58: {  	s0 =	sand.u32 $0x1FFFF400, s0;
	[tilespmem:s31+$0x10410] =	vst v3  }
0x59: {  	p0 =	seq.s32 s29, $0x31;
	s0 =	sadd.s32 s2, s0;
	[tilespmem:s31+$0x10420] =	vst v0  }
0x5a: {  	[hbm4b:s0+s3] =	stream.linear.scatter [tilespmem:s23], [sflag:$0x6], $0x2000, $0x38;
	[tilespmem:$0x12400] =	vst v63  }
0x5b: {  	s0 =	sshll.u32 @!p0 s29, $0x9  }
0x5c: {  	s31 =	sand.u32 @!p0 $0x3FFFFE00, s0  }
0x5d: {  	s1 =	simm.s32 @!p0 $0x80;
	s14 =	simm.s32 @!p0 $0x8400;
	s0 =	sadd.s32 @!p0 $0x280, s31  }
0x5e: {  	[tilespmem:s14], [sflag:$0x2] =	stream.indirect.gather @!p0 [hbm4b:s5+s1], $0x40, s0, s1, $0xb8;
	[tilespmem:$0x12400] =	vst v63  }
0x5f: {  	_ =	swait.ge [sflag:s24], $0x2000  }
0x60: {  	[sflag:s24] =	ssyncset.done $0x0  }
0x61: {  	[sflag:s24] =	ssyncadd.s32 $0xFFFFE000  }
0x62: {  	_ =	swait.ge [sflag:s25], $0x2000  }
0x63: {  	[sflag:s25] =	ssyncset.done $0x0  }
0x64: {  	s1 =	simm.s32 $0x0;
	[sflag:s25] =	ssyncadd.s32 $0xFFFFE000  }
0x65: {  	v0 =	vld [tilespmem:s1+$0xA430]  }
0x66: {  	v1 =	vld [tilespmem:s1+$0xA400]  }
0x67: {  	v3 =	vld [tilespmem:s1+$0xA410]  }
0x68: {  	v2 =	vld [tilespmem:s1+$0xA420]  }
0x69: {  	s0 =	simm.s32 $0x100  }
.LBB2_11:
0x6a: {  	s14 =	sshra.s32 s0, $0x2;
	p1 =	sne.s32 s0, $0x7F00;
	s0 =	sadd.s32 $0x100, s0;
	v4 =	vmul.f32 $8.000000000e+00, v0  }
.Ltmp7:
0x6b: {  	v0 =	vld [tilespmem:s14+$0xA430];
	v5 =	vmul.f32 $8.000000000e+00, v1;
	(pc) =	sbr.rel @p1 .LBB2_11-.Ltmp7, $4  }
0x6c: {  	v1 =	vld [tilespmem:s14+$0xA400];
	v6 =	vmul.f32 $8.000000000e+00, v3;
	[tilespmem:s1+$0xE430] =	vst v4  }
0x6d: {  	v3 =	vld [tilespmem:s14+$0xA410];
	v4 =	vmul.f32 $8.000000000e+00, v2;
	[tilespmem:s1+$0xE400] =	vst v5  }
0x6e: {  	v2 =	vld [tilespmem:s14+$0xA420];
	[tilespmem:s1+$0xE410] =	vst v6  }
0x6f: {  	[tilespmem:s1+$0xE420] =	vst v4;
	s1 =	smov.u32 s14  }
0x70: {  	v0 =	vmul.f32 $8.000000000e+00, v0  }
0x71: {  	v1 =	vmul.f32 $8.000000000e+00, v1  }
0x72: {  	s0 =	sadd.s32 s30, s8;
	v3 =	vmul.f32 $8.000000000e+00, v3;
	[tilespmem:s1+$0xE430] =	vst v0  }
0x73: {  	s0 =	sshll.u32 s0, $0xA;
	v0 =	vmul.f32 $8.000000000e+00, v2;
	[tilespmem:s1+$0xE400] =	vst v1  }
0x74: {  	s0 =	sand.u32 $0x1FFFF800, s0;
	[tilespmem:s1+$0xE410] =	vst v3  }
0x75: {  	s0 =	sadd.s32 s2, s0;
	[tilespmem:s1+$0xE420] =	vst v0  }
0x76: {  	[hbm4b:s0+s3] =	stream.linear.scatter [tilespmem:s20], [sflag:$0x5], $0x2000, $0x38;
	[tilespmem:$0x12400] =	vst v63  }
0x77: {  	s14 =	simm.s32 @!p0 $0xA400;
	s1 =	simm.s32 @!p0 $0x80;
	s0 =	sadd.s32 @!p0 $0x300, s31  }
0x78: {  	[tilespmem:s14], [sflag:$0x3] =	stream.indirect.gather @!p0 [hbm4b:s5+s1], $0x40, s0, s1, $0xb8;
	[tilespmem:$0x12400] =	vst v63  }
0x79: {  	_ =	swait.ge [sflag:s26], $0x2000  }
0x7a: {  	[sflag:s26] =	ssyncset.done $0x0  }
0x7b: {  	[sflag:s26] =	ssyncadd.s32 $0xFFFFE000  }
0x7c: {  	_ =	swait.ge [sflag:s22], $0x2000  }
0x7d: {  	[sflag:s22] =	ssyncset.done $0x0  }
0x7e: {  	s1 =	simm.s32 $0x0;
	[sflag:s22] =	ssyncadd.s32 $0xFFFFE000  }
0x7f: {  	v0 =	vld [tilespmem:s1+$0xC430]  }
0x80: {  	v1 =	vld [tilespmem:s1+$0xC400]  }
0x81: {  	v3 =	vld [tilespmem:s1+$0xC410]  }
0x82: {  	v2 =	vld [tilespmem:s1+$0xC420]  }
0x83: {  	s0 =	simm.s32 $0x100  }
.LBB2_13:
0x84: {  	s14 =	sshra.s32 s0, $0x2;
	p1 =	sne.s32 s0, $0x7F00;
	s0 =	sadd.s32 $0x100, s0;
	v4 =	vmul.f32 $8.000000000e+00, v0  }
.Ltmp8:
0x85: {  	v0 =	vld [tilespmem:s14+$0xC430];
	v5 =	vmul.f32 $8.000000000e+00, v1;
	(pc) =	sbr.rel @p1 .LBB2_13-.Ltmp8, $4  }
0x86: {  	v1 =	vld [tilespmem:s14+$0xC400];
	v6 =	vmul.f32 $8.000000000e+00, v3;
	[tilespmem:s1+$0x10430] =	vst v4  }
0x87: {  	v3 =	vld [tilespmem:s14+$0xC410];
	v4 =	vmul.f32 $8.000000000e+00, v2;
	[tilespmem:s1+$0x10400] =	vst v5  }
0x88: {  	v2 =	vld [tilespmem:s14+$0xC420];
	[tilespmem:s1+$0x10410] =	vst v6  }
0x89: {  	[tilespmem:s1+$0x10420] =	vst v4;
	s1 =	smov.u32 s14  }
0x8a: {  	v0 =	vmul.f32 $8.000000000e+00, v0  }
0x8b: {  	v1 =	vmul.f32 $8.000000000e+00, v1  }
.Ltmp9:
0x8c: {  	s0 =	sadd.s32 s30, s9;
	v3 =	vmul.f32 $8.000000000e+00, v3;
	[tilespmem:s1+$0x10430] =	vst v0;
	(pc) =	sbr.rel @p0 .LBB2_16-.Ltmp9, $4  }
0x8d: {  	s0 =	sshll.u32 s0, $0xA;
	v63 =	vmul.f32 $8.000000000e+00, v2;
	[tilespmem:s1+$0x10400] =	vst v1  }
0x8e: {  	s0 =	sand.u32 $0x1FFFFC00, s0;
	[tilespmem:s1+$0x10410] =	vst v3  }
0x8f: {  	s0 =	sadd.s32 s2, s0;
	[tilespmem:s1+$0x10420] =	vst v63  }
0x90: {  	[hbm4b:s0+s3] =	stream.linear.scatter [tilespmem:s23], [sflag:$0x6], $0x2000, $0x38;
	[tilespmem:$0x12400] =	vst v63  }
.Ltmp10:
0x91: {  	(pc) =	sbr.rel .LBB2_2-.Ltmp10, $4  }
0x92: {  	s0 =	sshll.u32 s29, $0x9  }
0x93: {  	s0 =	sand.u32 $0x3FFFFE00, s0  }
0x94: {  	s29 =	sadd.s32 $0x1, s29;
	s0 =	sadd.s32 $0x380, s0  }
0x95: {  	[tilespmem:s18], [sflag:$0x4] =	stream.indirect.gather [hbm4b:s5+s12], $0x40, s0, s12, $0xb8;
	[tilespmem:$0x12400] =	vst v63  }
.LBB2_17:
0x96: {  	_ =	sfence.sel $0x180000  }
0x97: {  	[bflag:$0x0] =	sbarrier.arrive $0xFFFF  }
0x98: {  	_ =	strace $0x90000047  }
0x99: {  	s0 =	stileid.u32;
	[bflag:$0x2] =	sbarrier.arrive $0xFFFF  }
0x9a: {  	p0 =	sne.s32 s0, $0x0;
	s0 =	rddreg [dreg:$0x2]  }
0x9b: {  	s0 =	sadd.s32 @!p0 $0x100000, s0  }
0x9c: {  	[sflag:s0] =	ssyncadd.tile.s32 @!p0 $0x1;
	_ =	shalt  }
.Lfunc_end2:
_tile_overlayer_lowered:
.L_overlay_start_2:
0x9d: {  	(tag) =	ssettag $0x2  }
0x9e: {  	s0 =	rddreg [dreg:$0x0];
	s2 =	stileid.u32  }
0x9f: {  	s1 =	rddreg [dreg:$0x1];
	p0 =	sne.s32 s2, $0x0  }
0xa0: {  	s3 =	rddreg [dreg:$0x2];
	[bflag:$0x3] =	sbarrier.arrive $0xFFFF;
	s2 =	simm.s32 @!p0 $0x1C07  }
0xa1: {  	[timem:s3], [sflag:s2] =	dma.local @!p0 [hbm:s0], s1  }
0xa2: {  	s0 =	simm.s32 @!p0 $0x7  }
0xa3: {  	_ =	swait.ge @!p0 [sflag:s0], s1  }
0xa4: {  	s1 =	ssub.s32 @!p0 $0x0, s1;
	[sflag:s0] =	ssyncset.done @!p0 $0x0  }
0xa5: {  	[sflag:s0] =	ssyncadd.s32 @!p0 s1  }
0xa6: {  	[bflag:$0x3] =	sbarrier.arrive $0xFFFF  }
0xa7: {  	_ =	shalt  }

// kernel: sparse-core-data-format-call.cloned.1.call-start
scs
called_computation_lowered:
.L_overlay_start_0:
0x0: {  	s2 =	sld [smem:$0x3FD9]  }
0x1: {  	s3 =	sld [smem:$0x3FFE];
	_ =	sdelay $0x1  }
0x2: {  	s1 =	srdreg.scid  }
0x3: {  	s0 =	sand.u32 $0x1, s1  }
0x4: {  	s18 =	sshll.u32 s0, $0xA;
	s2 =	sadd.s32 s3, s2  }
0x5: {  	s2 =	sadd.s32 s2, s18  }
0x6: {  	[smem:$0x3FC6] =	sst s2  }
0x7: {  	_ = 	snop  }
0x8: {  	s2 =	sld [smem:$0x3FD0];
	(tm) =	ssettm $0x1  }
0x9: {  	s19 =	sld [smem:$0x3FFB];
	_ =	sdelay $0x3  }
0xa: {  	_ =	strace s19  }
0xb: {  	s3 =	sld [smem:$0x3FFC];
	_ =	sdelay $0x3  }
0xc: {  	_ =	strace s3  }
0xd: {  	s3 =	sld [smem:$0x3FFD];
	_ =	sdelay $0x3  }
0xe: {  	_ =	strace s3  }
0xf: {  	_ =	strace $0x8FFFFFFF  }
0x10: {  	s20 =	sld [smem:$0x3FDB];
	_ =	sdelay $0x1  }
0x11: {  	s4 =	simm.s32 $_scs_section_size  }
0x12: {  	s5 =	simm.s32 $_size__tile_overlayer_lowered;
	s6 =	simm.s32 $_tile_overlayer_lowered  }
0x13: {  	s23 =	simm.s32 $0x1BFF;
	s22 =	sshll.u32 s6, $0x1;
	s3 =	sadd.s32 s4, s20  }
0x14: {  	s7 =	simm.s32 $0x0;
	s21 =	sshll.u32 s5, $0x1;
	s5 =	sadd.s32 s22, s3  }
0x15: {  	[timem:s7], [sflag:s23] =	dma.local [hbm:s5], s21  }
0x16: {  	_ =	swait.ge [sflag:s23], s21  }
0x17: {  	s4 =	ssub.s32 $0x0, s21;
	[sflag:s23] =	ssyncset.done $0x0  }
0x18: {  	[sflag:s23] =	ssyncadd.s32 s4;
	_ =	sdelay $0x1  }
0x19: {  	s24 =	simm.s32 $0x1B8B  }
0x1a: {  	_ =	swait.ge [sflag:s24], $0x1  }
0x1b: {  	[sflag:s24] =	ssyncset.done $0x0  }
0x1c: {  	s26 =	simm.s32 $0x1B8E;
	s25 =	sld [smem:$0x3FFE];
	[sflag:s24] =	ssyncadd.s32 $0xFFFFFFFF  }
0x1d: {  	s27 =	simm.s32 $execute0_lowered;
	[smem:$0x3FD2] =	sst s26  }
0x1e: {  	s5 =	sshll.u32 s27, $0x1;
	_ =	strace $0x80000049;
	[dreg:$0x1] =	wrdreg $0xFFFFFFFF  }
0x1f: {  	s28 =	simm.s32 $_size_execute0_lowered;
	s3 =	sadd.s32 s3, s5;
	[dreg:$0x0] =	wrdreg $0x0  }
0x20: {  	s5 =	sshll.u32 s28, $0x1;
	[dreg:$0x2] =	wrdreg s3  }
0x21: {  	[dreg:$0x3] =	wrdreg s5  }
0x22: {  	[dreg:$0x4] =	wrdreg $0xC0  }
0x23: {  	_ =	task [dreg:s7], $0x5FFFF  }
0x24: {  	[dreg:$0x1] =	wrdreg $0xFFFFFFFF  }
0x25: {  	[dreg:$0x0] =	wrdreg $0x60  }
0x26: {  	[dreg:$0x2] =	wrdreg s25  }
0x27: {  	[dreg:$0x3] =	wrdreg s2  }
0x28: {  	[dreg:$0x4] =	wrdreg $0x9  }
0x29: {  	_ =	task.clear_ibuf [dreg:s7], $0x5FFFF;
	_ =	strace $0x90000049  }
0x2a: {  	s29 =	simm.s32 $0x9;
	_ =	strace $0x8000004B  }
0x2b: {  	_ =	swait.ge [sflag:s29], $0x1  }
0x2c: {  	[sflag:s29] =	ssyncadd.s32 $0xFFFFFFFF  }
0x2d: {  	_ =	strace $0x9000004B  }
0x2e: {  	_ =	sfence  }
0x2f: {  	s30 =	sld [smem:$0x0];
	_ =	sdelay $0x2  }
0x30: {  	s31 =	sshll.u32 s1, $0xD;
	s1 =	sshrl.u32 s1, $0x2  }
0x31: {  	s3 =	sand.u32 $0x4000, s31;
	s1 =	sadd.s32 s1, s30  }
0x32: {  	s0 =	sor.u32 s3, s0;
	s1 =	sshll.u32 s1, $0x11  }
0x33: {  	s0 =	sor.u32 s1, s0  }
0x34: {  	s0 =	sadd.s32 $0x8F2B, s0  }
0x35: {  	[sflag:s0] =	ssyncadd.remote.s32 $0x1  }
0x36: {  	_ =	sfence.sel $0xFFFF  }
0x37: {  	[dreg:$0x0] =	wrdreg $0xFFFFFFFF;
	(pc) =	sbr.abs _section_cstart, $3  }
0x38: {  	[dreg:$0x1] =	wrdreg $0xFFFFFFFF  }
0x39: {  	_ =	task.clear_ibuf [dreg:s7], $0x2FFFF;
	_ =	strace $0x9FFFFFFF  }
0x3a: {  	(tm) =	ssettm $0x7FFFFFFF  }
0x3b: {  	_ =	shalt  }
tec
execute0_lowered:
.L_overlay_start_1:
0x0: {  	(tag) =	ssettag $0x1  }
0x1: {  	s0 =	srdreg.scid  }
0x2: {  	s1 =	sshll.u32 s0, $0x4  }
0x3: {  	s0 =	stileid.u32;
	s1 =	sand.u32 $0x10, s1  }
0x4: {  	s1 =	sor.u32 s0, s1  }
0x5: {  	s6 =	rddreg [dreg:$0x0];
	s4 =	simm.s32 $0x1;
	s2 =	sshll.u32 s1, $0x7  }
0x6: {  	s7 =	simm.s32 $0x2;
	s12 =	simm.s32 $0x0;
	s1 =	ssub.s32 $0x1000, s2  }
0x7: {  	s8 =	simm.s32 $0x8000;
	s13 =	simm.s32 $0x0;
	s3 =	sand.u32 $0xF80, s1  }
0x8: {  	s9 =	simm.s32 $0x0;
	s5 =	sshrl.u32 s1, $0xC;
	p0 =	sne.s32 s3, $0x0  }
.Ltmp0:
0x9: {  	s1 =	rddreg [dreg:$0x2];
	s4 =	simm.s32 @!p0 $0x0;
	(pc) =	sbr.rel .LBB1_1-.Ltmp0, $4  }
0xa: {  	s11 =	simm.s32 $0x0;
	s3 =	rddreg [dreg:$0x1];
	s5 =	sadd.s32 s4, s5  }
0xb: {  	_ =	strace $0x8000004A;
	s4 =	simm.s32 $0x1;
	s5 =	smul.u32 $0xC8, s5  }
0xc: {  	s6 =	sadd.s32 $0xA00, s6;
	s10 =	smov.u32 s2;
	[sflag:s4] =	ssyncpa.u1 $0x0  }
0xd: {  	p0 =	por $0x0, $0x0;
	[sflag:s7] =	ssyncpa.u1 $0x0;
	s7 =	sor.u32 $0x1, s5  }
.LBB1_4:
0xe: {  	s16 =	sshll.u32 s13, $0x3;
	s17 =	sand.u32 $0x78, s13  }
0xf: {  	s30 =	sand.u32 $0x7E00, s13;
	s12 =	sshll.u32 s12, $0xF;
	s16 =	sand.u32 $0xC00, s16  }
0x10: {  	[tilespmem:s15+$0x810 ss:$0x81] =	vst.msk $0xffff, v2;
	s31 =	sand.u32 $0x7, s13;
	s16 =	sor.u32 s17, s16;
	s17 =	sadd.s32 s3, s30  }
0x11: {  	[tilespmem:s15+$0x1020 ss:$0x81] =	vst.msk $0xffff, v0;
	s13 =	sshll.u32 s31, $0x12;
	s12 =	sadd.s32 s12, s17;
	s16 =	sshrl.u32 s16, $0x3  }
0x12: {  	[tilespmem:s15+$0x0 ss:$0x81] =	vst.msk $0xffff, v1;
	s13 =	sor.u32 $0x400, s13;
	s12 =	sadd.s32 s16, s12  }
0x13: {  	[hbm4b:s12+s13] =	stream.strided.scatter [tilespmem:s14], [sflag:$0x2], $0x2000, s8, s13, $0x20;
	[tilespmem:$0x8080] =	vst v63  }
.LBB1_5:
0x14: {  	s14 =	sadd.s32 $0x1, s9  }
0x15: {  	s12 =	sadd.s32 $0x1000, s10;
	s16 =	smov.u32 s10;
	p2 =	sgt.s32 s14, $0xC7  }
0x16: {  	s16 =	smov.u32 @p2 s12  }
0x17: {  	s14 =	simm.s32 @p2 $0x0;
	p2 =	sgt.s32 s16, $0xFFF  }
0x18: {  	s16 =	smov.u32 @p2 s2;
	p2 =	sne.s32 s11, s7  }
.Ltmp1:
0x19: {  	p1 =	slt.u32 s11, $0x2;
	(pc) =	sbr.rel @!p2 .LBB1_6-.Ltmp1, $4  }
0x1a: {  	s15 =	simm.s32 @!p1 $0x2  }
0x1b: {  	s13 =	smov.u32 s10;
	p0 =	por !p0, !p0;
	_ =	swait.ge @!p1 [sflag:s15], $0x2000  }
0x1c: {  	s12 =	smov.u32 s9;
	[sflag:s15] =	ssyncset.done @!p1 $0x0;
	s9 =	smov.u32 s14  }
0x1d: {  	s11 =	sadd.s32 $0x1, s11;
	[sflag:s15] =	ssyncadd.s32 @!p1 $0xFFFFE000;
	s10 =	smov.u32 s16  }
.LBB1_1:
0x1e: {  	p1 =	sge.u32 s11, s5  }
0x1f: {  	s14 =	sand.u32 @!p1 $0x1FFFFFF, s9  }
0x20: {  	s15 =	smulhi.u32 @!p1 $0x147AE15, s14;
	_ =	sdelay $0x1  }
0x21: {  	s15 =	smul.u32 @!p1 $0xC8, s15  }
0x22: {  	s16 =	sxor.u32 @!p1 $0xFFFFFFFF, s11;
	s17 =	smul.u32 @!p1 $0xC80, s10  }
0x23: {  	s31 =	sadd.s32 $0xFFFFFFFF, s11;
	s16 =	sshll.u32 @!p1 s16, $0xD;
	s14 =	ssub.s32 @!p1 s14, s15  }
0x24: {  	s15 =	sand.u32 @!p1 $0x2000, s16;
	s16 =	sadd.s32 @!p1 s6, s17;
	s14 =	sshll.u32 @!p1 s14, $0x4  }
0x25: {  	s17 =	simm.s32 @!p1 $0x6400;
	s14 =	sadd.s32 @!p1 s14, s16;
	s16 =	simm.s32 @!p1 $0x40  }
0x26: {  	[tilespmem:s15], [sflag:$0x1] =	stream.strided.gather @!p1 [hbm4b:s14+s16], $0x2000, s17, s16, $0x38;
	[tilespmem:$0x8080] =	vst v63  }
0x27: {  	p1 =	sge.u32 s31, s5  }
.Ltmp2:
0x28: {  	_ = 	snop;
	(pc) =	sbr.rel @p1 .LBB1_5-.Ltmp2, $1  }
0x29: {  	_ =	sdelay $0x3  }
0x2a: {  	s14 =	simm.s32 $0x1  }
0x2b: {  	_ =	swait.ge [sflag:s4], $0x2000;
	s14 =	simm.s32 @!p0 $0x0  }
0x2c: {  	[sflag:s4] =	ssyncset.done $0x0;
	s15 =	sshll.u32 s14, $0xD  }
0x2d: {  	[sflag:s4] =	ssyncadd.s32 $0xFFFFE000;
	s18 =	sor.u32 $0x20, s15  }
0x2e: {  	s14 =	smul.u32 $0x8100, s14;
	v3 =	vld [tilespmem:s18+$0x10]  }
0x2f: {  	s30 =	sand.u32 $0x1, s11;
	v2 =	vld [tilespmem:s18+$0xFFFFFFF0]  }
0x30: {  	s15 =	smul.u32 $0x8100, s30;
	s14 =	sshrl.u32 s14, $0x2;
	v0 =	vld [tilespmem:s18+$0x0]  }
0x31: {  	v1 =	vld [tilespmem:s18+$0xFFFFFFE0];
	s16 =	sor.u32 $0x4000, s14  }
0x32: {  	s31 =	sshrl.u32 s15, $0x2;
	s15 =	sadd.s32 $0x0, s16  }
0x33: {  	s17 =	simm.s32 $0x4;
	s18 =	sadd.s32 $0x40, s18;
	s14 =	sor.u32 $0x4000, s31;
	[tilespmem:s15+$0x1830 ss:$0x81] =	vst.msk $0xffff, v3  }
.LBB1_3:
0x34: {  	v3 =	vld [tilespmem:s18+$0x10];
	p1 =	sne.s32 s17, $0x1FC;
	[tilespmem:s15+$0x810 ss:$0x81] =	vst.msk $0xffff, v2;
	s19 =	smov.u32 s17;
	s17 =	sadd.s32 $0x4, s17  }
.Ltmp3:
0x35: {  	v2 =	vld [tilespmem:s18+$0xFFFFFFF0];
	[tilespmem:s15+$0x1020 ss:$0x81] =	vst.msk $0xffff, v0;
	(pc) =	sbr.rel @p1 .LBB1_3-.Ltmp3, $4  }
0x36: {  	v0 =	vld [tilespmem:s18+$0x0];
	[tilespmem:s15+$0x0 ss:$0x81] =	vst.msk $0xffff, v1  }
0x37: {  	s15 =	sshra.s32 s19, $0x2;
	v1 =	vld [tilespmem:s18+$0xFFFFFFE0]  }
0x38: {  	s15 =	sadd.s32 s15, s16  }
0x39: {  	s18 =	sadd.s32 $0x40, s18;
	[tilespmem:s15+$0x1830 ss:$0x81] =	vst.msk $0xffff, v3  }
.Ltmp4:
0x3a: {  	_ = 	snop;
	(pc) =	sbr.rel .LBB1_4-.Ltmp4, $1  }
0x3b: {  	_ =	sdelay $0x3  }
.LBB1_6:
0x3c: {  	_ =	sfence.sel $0x180000  }
0x3d: {  	s2 =	simm.s32 $0x1;
	[bflag:$0x0] =	sbarrier.arrive $0xFFFF  }
0x3e: {  	s31 =	simm.s32 $0x2;
	[sflag:s2] =	ssyncpa.u1 $0x1  }
0x3f: {  	[sflag:s31] =	ssyncpa.u1 $0x1  }
0x40: {  	p0 =	sne.s32 s0, $0x0;
	_ =	strace $0x9000004A  }
0x41: {  	s0 =	sadd.s32 @!p0 $0x100000, s1;
	[bflag:$0x2] =	sbarrier.arrive $0xFFFF  }
0x42: {  	[sflag:s0] =	ssyncadd.tile.s32 @!p0 $0x1;
	_ =	shalt  }
.Lfunc_end1:
_tile_overlayer_lowered:
.L_overlay_start_2:
0x43: {  	(tag) =	ssettag $0x2  }
0x44: {  	s0 =	rddreg [dreg:$0x0];
	s2 =	stileid.u32  }
0x45: {  	s1 =	rddreg [dreg:$0x1];
	p0 =	sne.s32 s2, $0x0  }
0x46: {  	s3 =	rddreg [dreg:$0x2];
	[bflag:$0x3] =	sbarrier.arrive $0xFFFF;
	s2 =	simm.s32 @!p0 $0x1C01  }
0x47: {  	[timem:s3], [sflag:s2] =	dma.local @!p0 [hbm:s0], s1  }
0x48: {  	s0 =	simm.s32 @!p0 $0x1  }
0x49: {  	_ =	swait.ge @!p0 [sflag:s0], s1  }
0x4a: {  	s1 =	ssub.s32 @!p0 $0x0, s1;
	[sflag:s0] =	ssyncset.done @!p0 $0x0  }
0x4b: {  	[sflag:s0] =	ssyncadd.s32 @!p0 s1  }
0x4c: {  	[bflag:$0x3] =	sbarrier.arrive $0xFFFF  }
0x4d: {  	_ =	shalt  }

</sc_bundles>
